<compile_context>
chip_gen: v7x
topology: tpu7x:2x2x1
jax: 0.10.2.dev20260603
libtpu: 0.0.44.dev20260713+nightly
codegen_flags: <defaults>
</compile_context>

<pallas_src>
import functools

import jax
import jax.numpy as jnp
from jax import lax
from jax.experimental import pallas as pl
from jax.experimental.pallas import tpu as pltpu
from jax.experimental.pallas import tpu_sc as plsc

B = 4096
F = 100
E = 32
G = 26
S = 4
N = G * B * S
NW = 32
ROWS_W = N // NW
SB_ROWS = 1024
NSB = ROWS_W // SB_ROWS
NBUF = 3


def _sc_gather(x3, ms_flat):
    mesh = plsc.VectorSubcoreMesh(core_axis_name="c", subcore_axis_name="s")

    @functools.partial(
        pl.kernel,
        out_type=jax.ShapeDtypeStruct((N, E), jnp.float32),
        mesh=mesh,
        scratch_types=(
            [pltpu.VMEM((2 * G * S,), jnp.int32)]
            + [pltpu.VMEM((SB_ROWS,), jnp.int32)] * NBUF
            + [pltpu.VMEM((SB_ROWS, E), jnp.float32)] * NBUF
            + [pltpu.SemaphoreType.DMA] * (2 * NBUF)
        ),
        compiler_params=pltpu.CompilerParams(
            use_tc_tiling_on_sc=False, needs_layout_passes=False),
    )
    def k(x_hbm, ms_hbm, out_hbm, ms_v, *bufs):
        idx = list(bufs[0:NBUF])
        data = list(bufs[NBUF:2 * NBUF])
        gsem = list(bufs[2 * NBUF:3 * NBUF])
        wsem = list(bufs[3 * NBUF:4 * NBUF])
        wid = lax.axis_index("s") * 2 + lax.axis_index("c")
        row0 = wid * ROWS_W
        pltpu.sync_copy(ms_hbm, ms_v)
        lanes = lax.iota(jnp.int32, 16)
        four = jnp.full((16,), S, jnp.int32)
        evec = jnp.full((16,), E, jnp.int32)
        s_lane = lax.rem(lanes, four)
        q_lane = lax.div(lanes, four)

        def compute_idx(sb, buf):
            sb_base = row0 + sb * SB_ROWS
            g = lax.div(sb_base, B * S)
            b0 = lax.div(lax.rem(sb_base, B * S), S)
            fvec = lax.div(
                plsc.load_gather(
                    ms_v, [jnp.full((16,), g * (2 * S), jnp.int32)
                           + s_lane * 2]),
                evec)
            base = (jnp.full((16,), b0, jnp.int32) + q_lane) * F + fvec

            def body(kk, _):
                idx[buf][pl.ds(kk * 16, 16)] = (
                    base + jnp.full((16,), kk * (S * F), jnp.int32))
                return 0

            lax.fori_loop(0, SB_ROWS // 16, body, 0)

        def issue_gather(buf):
            return pltpu.async_copy(x_hbm.at[idx[buf]], data[buf], gsem[buf])

        def issue_write(sb, buf):
            return pltpu.async_copy(
                data[buf], out_hbm.at[pl.ds(row0 + sb * SB_ROWS, SB_ROWS)],
                wsem[buf])

        gd = [None] * NSB
        wd = [None] * NSB
        compute_idx(0, 0)
        plsc.subcore_barrier()
        for sb in range(NSB):
            buf = sb % NBUF
            if sb >= NBUF:
                wd[sb - NBUF].wait()
            gd[sb] = issue_gather(buf)
            if sb + 1 < NSB:
                compute_idx(sb + 1, (sb + 1) % NBUF)
            if sb >= 1:
                gd[sb - 1].wait()
                wd[sb - 1] = issue_write(sb - 1, (sb - 1) % NBUF)
        gd[NSB - 1].wait()
        wd[NSB - 1] = issue_write(NSB - 1, (NSB - 1) % NBUF)
        for sb in range(NSB - NBUF, NSB):
            wd[sb].wait()

    return k(x3, ms_flat)


def kernel(input_tensor, many_slices):
    x3 = input_tensor.reshape(B * F, E)
    ms_flat = jnp.asarray(many_slices).astype(jnp.int32).reshape(-1)
    out = _sc_gather(x3, ms_flat)
    return out.reshape(G, B, S * E)

# --- scband reference (transcript-rebuilt; emitter-appended) ---
"""Pipeline reference for scband-fuse-slice-cat-same-input-module-v2-21440476742133 (READ-ONLY COPY).

The authoritative reference and input builder live on the scoring server;
editing this copy changes nothing except your own understanding.
"""

import jax, jax.numpy as jnp
import numpy as np
from jax import lax


def setup_inputs(seed: int = 0) -> dict:
    key = jax.random.key(seed)
    B, F, E = 4096, 100, 32  # batch, n_sparse_fields, embed_dim
    D = F * E  # 3200 concatenated embedding columns
    x = jax.random.normal(key, (B, D), dtype=jnp.float32)
    # Build many_slices: 26 output groups, each concatenating 4 field-aligned
    # column slices of width E from the fused embedding tensor.
    rng = np.random.RandomState(0)
    G, S = 26, 4
    fields = rng.randint(0, F, size=(G, S))
    many_slices = np.stack([fields * E, (fields + 1) * E], axis=-1).astype(np.int64)  # [G, S, 2]
    return {"input_tensor": x, "many_slices": many_slices}


def reference(input_tensor, many_slices):
    # Faithful semantics of fused_emb_cat: for each group of slices, gather the
    # column ranges [start:end) from the 2D input and concatenate along dim 1,
    # producing one output per group. All groups have equal width here (4*32),
    # so the per-group outputs are stacked into a single [G, B, 128] array.
    G, S = many_slices.shape[0], many_slices.shape[1]
    width = 32  # every slice satisfies end - start == E == 32 by construction
    outs = []
    for g in range(G):
        parts = []
        for s in range(S):
            start = many_slices[g, s, 0]
            parts.append(lax.dynamic_slice_in_dim(input_tensor, start, width, axis=1))
        outs.append(jnp.concatenate(parts, axis=1))
    return jnp.stack(outs, axis=0)

if __name__ == "__main__":
    import jax
    _d = setup_inputs()
    print(jax.jit(kernel)(*tuple(_d.values())))

</pallas_src>

<mosaic_0001>
#map = affine_map<(d0, d1) -> (0, 0)>
#map1 = affine_map<(d0, d1) -> (0)>
module attributes {stable_mosaic.version = 14 : i64} {
  func.func @k(%arg0: i32, %arg1: i32, %arg2: memref<409600x32xf32, #tpu.memory_space<hbm>>, %arg3: memref<208xi32, #tpu.memory_space<hbm>>, %arg4: memref<425984x32xf32, #tpu.memory_space<hbm>>, %arg5: memref<208xi32, #tpu.memory_space<vmem>>, %arg6: memref<1024xi32, #tpu.memory_space<vmem>>, %arg7: memref<1024xi32, #tpu.memory_space<vmem>>, %arg8: memref<1024xi32, #tpu.memory_space<vmem>>, %arg9: memref<1024x32xf32, #tpu.memory_space<vmem>>, %arg10: memref<1024x32xf32, #tpu.memory_space<vmem>>, %arg11: memref<1024x32xf32, #tpu.memory_space<vmem>>, %arg12: memref<!tpu.dma_semaphore, #tpu.memory_space<semaphore_mem>>, %arg13: memref<!tpu.dma_semaphore, #tpu.memory_space<semaphore_mem>>, %arg14: memref<!tpu.dma_semaphore, #tpu.memory_space<semaphore_mem>>, %arg15: memref<!tpu.dma_semaphore, #tpu.memory_space<semaphore_mem>>, %arg16: memref<!tpu.dma_semaphore, #tpu.memory_space<semaphore_mem>>, %arg17: memref<!tpu.dma_semaphore, #tpu.memory_space<semaphore_mem>>) attributes {dimension_semantics = [#tpu.dimension_semantics<core_parallel>, #tpu.dimension_semantics<subcore_parallel>], iteration_bounds = array<i64: 2, 16>, scalar_prefetch = 0 : i64, scratch_operands = 13 : i64, tpu.core_type = #tpu.core_type<sc_vector_subcore>, window_params = [{transform_indices = #map}, {transform_indices = #map1}, {transform_indices = #map}]} {
    %mul3A = arith.constant 2 : i32
    %mul3A_0 = arith.muli %arg1, %mul3A : i32
    %add3A = arith.addi %mul3A_0, %arg0 : i32
    %mul3A_1 = arith.constant 13312 : i32
    %mul3A_2 = arith.muli %add3A, %mul3A_1 : i32
    "tpu.region"() ({
      %run_scoped3A = tpu.sem_alloc : memref<!tpu.dma_semaphore, #tpu.memory_space<semaphore_mem>>
      tpu.enqueue_dma source(%arg3 : memref<208xi32, #tpu.memory_space<hbm>>) target(%arg5 : memref<208xi32, #tpu.memory_space<vmem>>) target_semaphore(%run_scoped3A : memref<!tpu.dma_semaphore, #tpu.memory_space<semaphore_mem>>)
      tpu.wait_dma2 semaphore(%run_scoped3A : memref<!tpu.dma_semaphore, #tpu.memory_space<semaphore_mem>>) src(%arg3 : memref<208xi32, #tpu.memory_space<hbm>>) dst(%arg5 : memref<208xi32, #tpu.memory_space<vmem>>)
      tpu.yield
    }) : () -> ()
    %iota3A = tpu.iota {dimensions = array<i32: 0>} : vector<16xi32>
    %broadcast_in_dim3A = arith.constant 4 : i32
    %broadcast_in_dim3A_3 = vector.broadcast %broadcast_in_dim3A : i32 to vector<16xi32>
    %broadcast_in_dim3A_4 = arith.constant 32 : i32
    %broadcast_in_dim3A_5 = vector.broadcast %broadcast_in_dim3A_4 : i32 to vector<16xi32>
    %rem3A = arith.remsi %iota3A, %broadcast_in_dim3A_3 : vector<16xi32>
    %div3A = arith.divsi %iota3A, %broadcast_in_dim3A_3 : vector<16xi32>
    %add3A_6 = arith.constant 0 : i32
    %add3A_7 = arith.addi %mul3A_2, %add3A_6 : i32
    %div3A_8 = arith.constant 16384 : i32
    %div3A_9 = arith.divsi %add3A_7, %div3A_8 : i32
    %rem3A_10 = arith.constant 16384 : i32
    %rem3A_11 = arith.remsi %add3A_7, %rem3A_10 : i32
    %div3A_12 = arith.constant 4 : i32
    %div3A_13 = arith.divsi %rem3A_11, %div3A_12 : i32
    %mul3A_14 = arith.constant 8 : i32
    %mul3A_15 = arith.muli %div3A_9, %mul3A_14 : i32
    %broadcast_in_dim3A_16 = vector.broadcast %mul3A_15 : i32 to vector<16xi32>
    %mul3A_17 = arith.constant 2 : i32
    %mul3A_18 = vector.broadcast %mul3A_17 : i32 to vector<16xi32>
    %mul3A_19 = arith.muli %rem3A, %mul3A_18 : vector<16xi32>
    %add3A_20 = arith.addi %broadcast_in_dim3A_16, %mul3A_19 : vector<16xi32>
    %gather3A = tpu.vector_load_idx %arg5[%add3A_20] : memref<208xi32, #tpu.memory_space<vmem>>[vector<16xi32>], vector<16xi32>,
    %div3A_21 = arith.divsi %gather3A, %broadcast_in_dim3A_5 : vector<16xi32>
    %broadcast_in_dim3A_22 = vector.broadcast %div3A_13 : i32 to vector<16xi32>
    %add3A_23 = arith.addi %broadcast_in_dim3A_22, %div3A : vector<16xi32>
    %mul3A_24 = arith.constant 100 : i32
    %mul3A_25 = vector.broadcast %mul3A_24 : i32 to vector<16xi32>
    %mul3A_26 = arith.muli %add3A_23, %mul3A_25 : vector<16xi32>
    %add3A_27 = arith.addi %mul3A_26, %div3A_21 : vector<16xi32>
    %scan3A = arith.constant 0 : i32
    %scan3A_28 = arith.constant 0 : i32
    %scan3A_29 = arith.constant 64 : i32
    %scan3A_30 = arith.addi %scan3A_28, %scan3A_29 : i32
    %scan3A_31 = arith.constant 1 : i32
    %scan3A_32 = scf.for %scan3A_600 = %scan3A_28 to %scan3A_30 step %scan3A_31 iter_args(%scan3A_601 = %scan3A) -> (i32)  : i32 {
      %mul3A_602 = arith.constant 400 : i32
      %mul3A_603 = arith.muli %scan3A_600, %mul3A_602 : i32
      %broadcast_in_dim3A_604 = vector.broadcast %mul3A_603 : i32 to vector<16xi32>
      %add3A_605 = arith.addi %add3A_27, %broadcast_in_dim3A_604 : vector<16xi32>
      %mul3A_606 = arith.constant 16 : i32
      %mul3A_607 = arith.muli %scan3A_600, %mul3A_606 : i32
      %swap3A = arith.index_cast %mul3A_607 : i32 to index
      %swap3A_608 = tpu.vector_load %arg6[%swap3A] {strides = array<i32>} : memref<1024xi32, #tpu.memory_space<vmem>>, vector<16xi32>,
      tpu.vector_store %arg6[%swap3A], %add3A_605 {strides = array<i32>} : memref<1024xi32, #tpu.memory_space<vmem>>, vector<16xi32>,
      %scan3A_609 = arith.constant 0 : i32
      scf.yield %scan3A_609 : i32
    }
    %scan3A_33 = arith.constant 64 : i32
    %barrier3A = arith.constant 0 : index
    tpu.barrier barrier_id(%barrier3A)
    %dma_start3A = arith.constant 0 : i32
    %dma_start3A_34 = arith.constant 0 : i32
    %dma_start3A_35 = tpu.memref_slice %arg2[%dma_start3A, %dma_start3A_34] : memref<409600x32xf32, #tpu.memory_space<hbm>> -> memref<409600x32xf32, #tpu.memory_space<hbm>>
    tpu.enqueue_indirect_dma source(%dma_start3A_35 : memref<409600x32xf32, #tpu.memory_space<hbm>>) target(%arg9 : memref<1024x32xf32, #tpu.memory_space<vmem>>) offsets(%arg6 : memref<1024xi32, #tpu.memory_space<vmem>>) semaphore(%arg12 : memref<!tpu.dma_semaphore, #tpu.memory_space<semaphore_mem>>)
    %add3A_36 = arith.constant 1024 : i32
    %add3A_37 = arith.addi %mul3A_2, %add3A_36 : i32
    %div3A_38 = arith.constant 16384 : i32
    %div3A_39 = arith.divsi %add3A_37, %div3A_38 : i32
    %rem3A_40 = arith.constant 16384 : i32
    %rem3A_41 = arith.remsi %add3A_37, %rem3A_40 : i32
    %div3A_42 = arith.constant 4 : i32
    %div3A_43 = arith.divsi %rem3A_41, %div3A_42 : i32
    %mul3A_44 = arith.constant 8 : i32
    %mul3A_45 = arith.muli %div3A_39, %mul3A_44 : i32
    %broadcast_in_dim3A_46 = vector.broadcast %mul3A_45 : i32 to vector<16xi32>
    %mul3A_47 = arith.constant 2 : i32
    %mul3A_48 = vector.broadcast %mul3A_47 : i32 to vector<16xi32>
    %mul3A_49 = arith.muli %rem3A, %mul3A_48 : vector<16xi32>
    %add3A_50 = arith.addi %broadcast_in_dim3A_46, %mul3A_49 : vector<16xi32>
    %gather3A_51 = tpu.vector_load_idx %arg5[%add3A_50] : memref<208xi32, #tpu.memory_space<vmem>>[vector<16xi32>], vector<16xi32>,
    %div3A_52 = arith.divsi %gather3A_51, %broadcast_in_dim3A_5 : vector<16xi32>
    %broadcast_in_dim3A_53 = vector.broadcast %div3A_43 : i32 to vector<16xi32>
    %add3A_54 = arith.addi %broadcast_in_dim3A_53, %div3A : vector<16xi32>
    %mul3A_55 = arith.constant 100 : i32
    %mul3A_56 = vector.broadcast %mul3A_55 : i32 to vector<16xi32>
    %mul3A_57 = arith.muli %add3A_54, %mul3A_56 : vector<16xi32>
    %add3A_58 = arith.addi %mul3A_57, %div3A_52 : vector<16xi32>
    %scan3A_59 = arith.constant 0 : i32
    %scan3A_60 = arith.constant 0 : i32
    %scan3A_61 = arith.constant 64 : i32
    %scan3A_62 = arith.addi %scan3A_60, %scan3A_61 : i32
    %scan3A_63 = arith.constant 1 : i32
    %scan3A_64 = scf.for %scan3A_600 = %scan3A_60 to %scan3A_62 step %scan3A_63 iter_args(%scan3A_601 = %scan3A_59) -> (i32)  : i32 {
      %mul3A_602 = arith.constant 400 : i32
      %mul3A_603 = arith.muli %scan3A_600, %mul3A_602 : i32
      %broadcast_in_dim3A_604 = vector.broadcast %mul3A_603 : i32 to vector<16xi32>
      %add3A_605 = arith.addi %add3A_58, %broadcast_in_dim3A_604 : vector<16xi32>
      %mul3A_606 = arith.constant 16 : i32
      %mul3A_607 = arith.muli %scan3A_600, %mul3A_606 : i32
      %swap3A = arith.index_cast %mul3A_607 : i32 to index
      %swap3A_608 = tpu.vector_load %arg7[%swap3A] {strides = array<i32>} : memref<1024xi32, #tpu.memory_space<vmem>>, vector<16xi32>,
      tpu.vector_store %arg7[%swap3A], %add3A_605 {strides = array<i32>} : memref<1024xi32, #tpu.memory_space<vmem>>, vector<16xi32>,
      %scan3A_609 = arith.constant 0 : i32
      scf.yield %scan3A_609 : i32
    }
    %scan3A_65 = arith.constant 64 : i32
    %dma_start3A_66 = arith.constant 0 : i32
    %dma_start3A_67 = arith.constant 0 : i32
    %dma_start3A_68 = tpu.memref_slice %arg2[%dma_start3A_66, %dma_start3A_67] : memref<409600x32xf32, #tpu.memory_space<hbm>> -> memref<409600x32xf32, #tpu.memory_space<hbm>>
    tpu.enqueue_indirect_dma source(%dma_start3A_68 : memref<409600x32xf32, #tpu.memory_space<hbm>>) target(%arg10 : memref<1024x32xf32, #tpu.memory_space<vmem>>) offsets(%arg7 : memref<1024xi32, #tpu.memory_space<vmem>>) semaphore(%arg13 : memref<!tpu.dma_semaphore, #tpu.memory_space<semaphore_mem>>)
    %add3A_69 = arith.constant 2048 : i32
    %add3A_70 = arith.addi %mul3A_2, %add3A_69 : i32
    %div3A_71 = arith.constant 16384 : i32
    %div3A_72 = arith.divsi %add3A_70, %div3A_71 : i32
    %rem3A_73 = arith.constant 16384 : i32
    %rem3A_74 = arith.remsi %add3A_70, %rem3A_73 : i32
    %div3A_75 = arith.constant 4 : i32
    %div3A_76 = arith.divsi %rem3A_74, %div3A_75 : i32
    %mul3A_77 = arith.constant 8 : i32
    %mul3A_78 = arith.muli %div3A_72, %mul3A_77 : i32
    %broadcast_in_dim3A_79 = vector.broadcast %mul3A_78 : i32 to vector<16xi32>
    %mul3A_80 = arith.constant 2 : i32
    %mul3A_81 = vector.broadcast %mul3A_80 : i32 to vector<16xi32>
    %mul3A_82 = arith.muli %rem3A, %mul3A_81 : vector<16xi32>
    %add3A_83 = arith.addi %broadcast_in_dim3A_79, %mul3A_82 : vector<16xi32>
    %gather3A_84 = tpu.vector_load_idx %arg5[%add3A_83] : memref<208xi32, #tpu.memory_space<vmem>>[vector<16xi32>], vector<16xi32>,
    %div3A_85 = arith.divsi %gather3A_84, %broadcast_in_dim3A_5 : vector<16xi32>
    %broadcast_in_dim3A_86 = vector.broadcast %div3A_76 : i32 to vector<16xi32>
    %add3A_87 = arith.addi %broadcast_in_dim3A_86, %div3A : vector<16xi32>
    %mul3A_88 = arith.constant 100 : i32
    %mul3A_89 = vector.broadcast %mul3A_88 : i32 to vector<16xi32>
    %mul3A_90 = arith.muli %add3A_87, %mul3A_89 : vector<16xi32>
    %add3A_91 = arith.addi %mul3A_90, %div3A_85 : vector<16xi32>
    %scan3A_92 = arith.constant 0 : i32
    %scan3A_93 = arith.constant 0 : i32
    %scan3A_94 = arith.constant 64 : i32
    %scan3A_95 = arith.addi %scan3A_93, %scan3A_94 : i32
    %scan3A_96 = arith.constant 1 : i32
    %scan3A_97 = scf.for %scan3A_600 = %scan3A_93 to %scan3A_95 step %scan3A_96 iter_args(%scan3A_601 = %scan3A_92) -> (i32)  : i32 {
      %mul3A_602 = arith.constant 400 : i32
      %mul3A_603 = arith.muli %scan3A_600, %mul3A_602 : i32
      %broadcast_in_dim3A_604 = vector.broadcast %mul3A_603 : i32 to vector<16xi32>
      %add3A_605 = arith.addi %add3A_91, %broadcast_in_dim3A_604 : vector<16xi32>
      %mul3A_606 = arith.constant 16 : i32
      %mul3A_607 = arith.muli %scan3A_600, %mul3A_606 : i32
      %swap3A = arith.index_cast %mul3A_607 : i32 to index
      %swap3A_608 = tpu.vector_load %arg8[%swap3A] {strides = array<i32>} : memref<1024xi32, #tpu.memory_space<vmem>>, vector<16xi32>,
      tpu.vector_store %arg8[%swap3A], %add3A_605 {strides = array<i32>} : memref<1024xi32, #tpu.memory_space<vmem>>, vector<16xi32>,
      %scan3A_609 = arith.constant 0 : i32
      scf.yield %scan3A_609 : i32
    }
    %scan3A_98 = arith.constant 64 : i32
    %dma_wait3A = arith.constant 0 : i32
    %dma_wait3A_99 = arith.constant 0 : i32
    %dma_wait3A_100 = tpu.memref_slice %arg2[%dma_wait3A, %dma_wait3A_99] : memref<409600x32xf32, #tpu.memory_space<hbm>> -> memref<409600x32xf32, #tpu.memory_space<hbm>>
    tpu.wait_indirect_dma semaphore(%arg12 : memref<!tpu.dma_semaphore, #tpu.memory_space<semaphore_mem>>) src(%dma_wait3A_100 : memref<409600x32xf32, #tpu.memory_space<hbm>>) dst(%arg9 : memref<1024x32xf32, #tpu.memory_space<vmem>>)
    %add3A_101 = arith.constant 0 : i32
    %add3A_102 = arith.addi %mul3A_2, %add3A_101 : i32
    %dma_start3A_103 = arith.constant 0 : i32
    %dma_start3A_104 = tpu.memref_slice %arg4[%add3A_102, %dma_start3A_103] : memref<425984x32xf32, #tpu.memory_space<hbm>> -> memref<1024x32xf32, #tpu.memory_space<hbm>>
    %dma_start3A_105 = arith.constant 0 : i32
    %dma_start3A_106 = tpu.memref_slice %arg4[%add3A_102, %dma_start3A_105] : memref<425984x32xf32, #tpu.memory_space<hbm>> -> memref<1024x32xf32, #tpu.memory_space<hbm>>
    tpu.enqueue_dma source(%arg9 : memref<1024x32xf32, #tpu.memory_space<vmem>>) target(%dma_start3A_106 : memref<1024x32xf32, #tpu.memory_space<hbm>>) target_semaphore(%arg15 : memref<!tpu.dma_semaphore, #tpu.memory_space<semaphore_mem>>)
    %dma_start3A_107 = arith.constant 0 : i32
    %dma_start3A_108 = arith.constant 0 : i32
    %dma_start3A_109 = tpu.memref_slice %arg2[%dma_start3A_107, %dma_start3A_108] : memref<409600x32xf32, #tpu.memory_space<hbm>> -> memref<409600x32xf32, #tpu.memory_space<hbm>>
    tpu.enqueue_indirect_dma source(%dma_start3A_109 : memref<409600x32xf32, #tpu.memory_space<hbm>>) target(%arg11 : memref<1024x32xf32, #tpu.memory_space<vmem>>) offsets(%arg8 : memref<1024xi32, #tpu.memory_space<vmem>>) semaphore(%arg14 : memref<!tpu.dma_semaphore, #tpu.memory_space<semaphore_mem>>)
    %add3A_110 = arith.constant 3072 : i32
    %add3A_111 = arith.addi %mul3A_2, %add3A_110 : i32
    %div3A_112 = arith.constant 16384 : i32
    %div3A_113 = arith.divsi %add3A_111, %div3A_112 : i32
    %rem3A_114 = arith.constant 16384 : i32
    %rem3A_115 = arith.remsi %add3A_111, %rem3A_114 : i32
    %div3A_116 = arith.constant 4 : i32
    %div3A_117 = arith.divsi %rem3A_115, %div3A_116 : i32
    %mul3A_118 = arith.constant 8 : i32
    %mul3A_119 = arith.muli %div3A_113, %mul3A_118 : i32
    %broadcast_in_dim3A_120 = vector.broadcast %mul3A_119 : i32 to vector<16xi32>
    %mul3A_121 = arith.constant 2 : i32
    %mul3A_122 = vector.broadcast %mul3A_121 : i32 to vector<16xi32>
    %mul3A_123 = arith.muli %rem3A, %mul3A_122 : vector<16xi32>
    %add3A_124 = arith.addi %broadcast_in_dim3A_120, %mul3A_123 : vector<16xi32>
    %gather3A_125 = tpu.vector_load_idx %arg5[%add3A_124] : memref<208xi32, #tpu.memory_space<vmem>>[vector<16xi32>], vector<16xi32>,
    %div3A_126 = arith.divsi %gather3A_125, %broadcast_in_dim3A_5 : vector<16xi32>
    %broadcast_in_dim3A_127 = vector.broadcast %div3A_117 : i32 to vector<16xi32>
    %add3A_128 = arith.addi %broadcast_in_dim3A_127, %div3A : vector<16xi32>
    %mul3A_129 = arith.constant 100 : i32
    %mul3A_130 = vector.broadcast %mul3A_129 : i32 to vector<16xi32>
    %mul3A_131 = arith.muli %add3A_128, %mul3A_130 : vector<16xi32>
    %add3A_132 = arith.addi %mul3A_131, %div3A_126 : vector<16xi32>
    %scan3A_133 = arith.constant 0 : i32
    %scan3A_134 = arith.constant 0 : i32
    %scan3A_135 = arith.constant 64 : i32
    %scan3A_136 = arith.addi %scan3A_134, %scan3A_135 : i32
    %scan3A_137 = arith.constant 1 : i32
    %scan3A_138 = scf.for %scan3A_600 = %scan3A_134 to %scan3A_136 step %scan3A_137 iter_args(%scan3A_601 = %scan3A_133) -> (i32)  : i32 {
      %mul3A_602 = arith.constant 400 : i32
      %mul3A_603 = arith.muli %scan3A_600, %mul3A_602 : i32
      %broadcast_in_dim3A_604 = vector.broadcast %mul3A_603 : i32 to vector<16xi32>
      %add3A_605 = arith.addi %add3A_132, %broadcast_in_dim3A_604 : vector<16xi32>
      %mul3A_606 = arith.constant 16 : i32
      %mul3A_607 = arith.muli %scan3A_600, %mul3A_606 : i32
      %swap3A = arith.index_cast %mul3A_607 : i32 to index
      %swap3A_608 = tpu.vector_load %arg6[%swap3A] {strides = array<i32>} : memref<1024xi32, #tpu.memory_space<vmem>>, vector<16xi32>,
      tpu.vector_store %arg6[%swap3A], %add3A_605 {strides = array<i32>} : memref<1024xi32, #tpu.memory_space<vmem>>, vector<16xi32>,
      %scan3A_609 = arith.constant 0 : i32
      scf.yield %scan3A_609 : i32
    }
    %scan3A_139 = arith.constant 64 : i32
    %dma_wait3A_140 = arith.constant 0 : i32
    %dma_wait3A_141 = arith.constant 0 : i32
    %dma_wait3A_142 = tpu.memref_slice %arg2[%dma_wait3A_140, %dma_wait3A_141] : memref<409600x32xf32, #tpu.memory_space<hbm>> -> memref<409600x32xf32, #tpu.memory_space<hbm>>
    tpu.wait_indirect_dma semaphore(%arg13 : memref<!tpu.dma_semaphore, #tpu.memory_space<semaphore_mem>>) src(%dma_wait3A_142 : memref<409600x32xf32, #tpu.memory_space<hbm>>) dst(%arg10 : memref<1024x32xf32, #tpu.memory_space<vmem>>)
    %add3A_143 = arith.constant 1024 : i32
    %add3A_144 = arith.addi %mul3A_2, %add3A_143 : i32
    %dma_start3A_145 = arith.constant 0 : i32
    %dma_start3A_146 = tpu.memref_slice %arg4[%add3A_144, %dma_start3A_145] : memref<425984x32xf32, #tpu.memory_space<hbm>> -> memref<1024x32xf32, #tpu.memory_space<hbm>>
    %dma_start3A_147 = arith.constant 0 : i32
    %dma_start3A_148 = tpu.memref_slice %arg4[%add3A_144, %dma_start3A_147] : memref<425984x32xf32, #tpu.memory_space<hbm>> -> memref<1024x32xf32, #tpu.memory_space<hbm>>
    tpu.enqueue_dma source(%arg10 : memref<1024x32xf32, #tpu.memory_space<vmem>>) target(%dma_start3A_148 : memref<1024x32xf32, #tpu.memory_space<hbm>>) target_semaphore(%arg16 : memref<!tpu.dma_semaphore, #tpu.memory_space<semaphore_mem>>)
    %dma_wait3A_149 = arith.constant 0 : i32
    %dma_wait3A_150 = tpu.memref_slice %arg4[%add3A_102, %dma_wait3A_149] : memref<425984x32xf32, #tpu.memory_space<hbm>> -> memref<1024x32xf32, #tpu.memory_space<hbm>>
    %dma_wait3A_151 = arith.constant 0 : i32
    %dma_wait3A_152 = tpu.memref_slice %arg4[%add3A_102, %dma_wait3A_151] : memref<425984x32xf32, #tpu.memory_space<hbm>> -> memref<1024x32xf32, #tpu.memory_space<hbm>>
    tpu.wait_dma2 semaphore(%arg15 : memref<!tpu.dma_semaphore, #tpu.memory_space<semaphore_mem>>) src(%arg9 : memref<1024x32xf32, #tpu.memory_space<vmem>>) dst(%dma_wait3A_152 : memref<1024x32xf32, #tpu.memory_space<hbm>>)
    %dma_start3A_153 = arith.constant 0 : i32
    %dma_start3A_154 = arith.constant 0 : i32
    %dma_start3A_155 = tpu.memref_slice %arg2[%dma_start3A_153, %dma_start3A_154] : memref<409600x32xf32, #tpu.memory_space<hbm>> -> memref<409600x32xf32, #tpu.memory_space<hbm>>
    tpu.enqueue_indirect_dma source(%dma_start3A_155 : memref<409600x32xf32, #tpu.memory_space<hbm>>) target(%arg9 : memref<1024x32xf32, #tpu.memory_space<vmem>>) offsets(%arg6 : memref<1024xi32, #tpu.memory_space<vmem>>) semaphore(%arg12 : memref<!tpu.dma_semaphore, #tpu.memory_space<semaphore_mem>>)
    %add3A_156 = arith.constant 4096 : i32
    %add3A_157 = arith.addi %mul3A_2, %add3A_156 : i32
    %div3A_158 = arith.constant 16384 : i32
    %div3A_159 = arith.divsi %add3A_157, %div3A_158 : i32
    %rem3A_160 = arith.constant 16384 : i32
    %rem3A_161 = arith.remsi %add3A_157, %rem3A_160 : i32
    %div3A_162 = arith.constant 4 : i32
    %div3A_163 = arith.divsi %rem3A_161, %div3A_162 : i32
    %mul3A_164 = arith.constant 8 : i32
    %mul3A_165 = arith.muli %div3A_159, %mul3A_164 : i32
    %broadcast_in_dim3A_166 = vector.broadcast %mul3A_165 : i32 to vector<16xi32>
    %mul3A_167 = arith.constant 2 : i32
    %mul3A_168 = vector.broadcast %mul3A_167 : i32 to vector<16xi32>
    %mul3A_169 = arith.muli %rem3A, %mul3A_168 : vector<16xi32>
    %add3A_170 = arith.addi %broadcast_in_dim3A_166, %mul3A_169 : vector<16xi32>
    %gather3A_171 = tpu.vector_load_idx %arg5[%add3A_170] : memref<208xi32, #tpu.memory_space<vmem>>[vector<16xi32>], vector<16xi32>,
    %div3A_172 = arith.divsi %gather3A_171, %broadcast_in_dim3A_5 : vector<16xi32>
    %broadcast_in_dim3A_173 = vector.broadcast %div3A_163 : i32 to vector<16xi32>
    %add3A_174 = arith.addi %broadcast_in_dim3A_173, %div3A : vector<16xi32>
    %mul3A_175 = arith.constant 100 : i32
    %mul3A_176 = vector.broadcast %mul3A_175 : i32 to vector<16xi32>
    %mul3A_177 = arith.muli %add3A_174, %mul3A_176 : vector<16xi32>
    %add3A_178 = arith.addi %mul3A_177, %div3A_172 : vector<16xi32>
    %scan3A_179 = arith.constant 0 : i32
    %scan3A_180 = arith.constant 0 : i32
    %scan3A_181 = arith.constant 64 : i32
    %scan3A_182 = arith.addi %scan3A_180, %scan3A_181 : i32
    %scan3A_183 = arith.constant 1 : i32
    %scan3A_184 = scf.for %scan3A_600 = %scan3A_180 to %scan3A_182 step %scan3A_183 iter_args(%scan3A_601 = %scan3A_179) -> (i32)  : i32 {
      %mul3A_602 = arith.constant 400 : i32
      %mul3A_603 = arith.muli %scan3A_600, %mul3A_602 : i32
      %broadcast_in_dim3A_604 = vector.broadcast %mul3A_603 : i32 to vector<16xi32>
      %add3A_605 = arith.addi %add3A_178, %broadcast_in_dim3A_604 : vector<16xi32>
      %mul3A_606 = arith.constant 16 : i32
      %mul3A_607 = arith.muli %scan3A_600, %mul3A_606 : i32
      %swap3A = arith.index_cast %mul3A_607 : i32 to index
      %swap3A_608 = tpu.vector_load %arg7[%swap3A] {strides = array<i32>} : memref<1024xi32, #tpu.memory_space<vmem>>, vector<16xi32>,
      tpu.vector_store %arg7[%swap3A], %add3A_605 {strides = array<i32>} : memref<1024xi32, #tpu.memory_space<vmem>>, vector<16xi32>,
      %scan3A_609 = arith.constant 0 : i32
      scf.yield %scan3A_609 : i32
    }
    %scan3A_185 = arith.constant 64 : i32
    %dma_wait3A_186 = arith.constant 0 : i32
    %dma_wait3A_187 = arith.constant 0 : i32
    %dma_wait3A_188 = tpu.memref_slice %arg2[%dma_wait3A_186, %dma_wait3A_187] : memref<409600x32xf32, #tpu.memory_space<hbm>> -> memref<409600x32xf32, #tpu.memory_space<hbm>>
    tpu.wait_indirect_dma semaphore(%arg14 : memref<!tpu.dma_semaphore, #tpu.memory_space<semaphore_mem>>) src(%dma_wait3A_188 : memref<409600x32xf32, #tpu.memory_space<hbm>>) dst(%arg11 : memref<1024x32xf32, #tpu.memory_space<vmem>>)
    %add3A_189 = arith.constant 2048 : i32
    %add3A_190 = arith.addi %mul3A_2, %add3A_189 : i32
    %dma_start3A_191 = arith.constant 0 : i32
    %dma_start3A_192 = tpu.memref_slice %arg4[%add3A_190, %dma_start3A_191] : memref<425984x32xf32, #tpu.memory_space<hbm>> -> memref<1024x32xf32, #tpu.memory_space<hbm>>
    %dma_start3A_193 = arith.constant 0 : i32
    %dma_start3A_194 = tpu.memref_slice %arg4[%add3A_190, %dma_start3A_193] : memref<425984x32xf32, #tpu.memory_space<hbm>> -> memref<1024x32xf32, #tpu.memory_space<hbm>>
    tpu.enqueue_dma source(%arg11 : memref<1024x32xf32, #tpu.memory_space<vmem>>) target(%dma_start3A_194 : memref<1024x32xf32, #tpu.memory_space<hbm>>) target_semaphore(%arg17 : memref<!tpu.dma_semaphore, #tpu.memory_space<semaphore_mem>>)
    %dma_wait3A_195 = arith.constant 0 : i32
    %dma_wait3A_196 = tpu.memref_slice %arg4[%add3A_144, %dma_wait3A_195] : memref<425984x32xf32, #tpu.memory_space<hbm>> -> memref<1024x32xf32, #tpu.memory_space<hbm>>
    %dma_wait3A_197 = arith.constant 0 : i32
    %dma_wait3A_198 = tpu.memref_slice %arg4[%add3A_144, %dma_wait3A_197] : memref<425984x32xf32, #tpu.memory_space<hbm>> -> memref<1024x32xf32, #tpu.memory_space<hbm>>
    tpu.wait_dma2 semaphore(%arg16 : memref<!tpu.dma_semaphore, #tpu.memory_space<semaphore_mem>>) src(%arg10 : memref<1024x32xf32, #tpu.memory_space<vmem>>) dst(%dma_wait3A_198 : memref<1024x32xf32, #tpu.memory_space<hbm>>)
    %dma_start3A_199 = arith.constant 0 : i32
    %dma_start3A_200 = arith.constant 0 : i32
    %dma_start3A_201 = tpu.memref_slice %arg2[%dma_start3A_199, %dma_start3A_200] : memref<409600x32xf32, #tpu.memory_space<hbm>> -> memref<409600x32xf32, #tpu.memory_space<hbm>>
    tpu.enqueue_indirect_dma source(%dma_start3A_201 : memref<409600x32xf32, #tpu.memory_space<hbm>>) target(%arg10 : memref<1024x32xf32, #tpu.memory_space<vmem>>) offsets(%arg7 : memref<1024xi32, #tpu.memory_space<vmem>>) semaphore(%arg13 : memref<!tpu.dma_semaphore, #tpu.memory_space<semaphore_mem>>)
    %add3A_202 = arith.constant 5120 : i32
    %add3A_203 = arith.addi %mul3A_2, %add3A_202 : i32
    %div3A_204 = arith.constant 16384 : i32
    %div3A_205 = arith.divsi %add3A_203, %div3A_204 : i32
    %rem3A_206 = arith.constant 16384 : i32
    %rem3A_207 = arith.remsi %add3A_203, %rem3A_206 : i32
    %div3A_208 = arith.constant 4 : i32
    %div3A_209 = arith.divsi %rem3A_207, %div3A_208 : i32
    %mul3A_210 = arith.constant 8 : i32
    %mul3A_211 = arith.muli %div3A_205, %mul3A_210 : i32
    %broadcast_in_dim3A_212 = vector.broadcast %mul3A_211 : i32 to vector<16xi32>
    %mul3A_213 = arith.constant 2 : i32
    %mul3A_214 = vector.broadcast %mul3A_213 : i32 to vector<16xi32>
    %mul3A_215 = arith.muli %rem3A, %mul3A_214 : vector<16xi32>
    %add3A_216 = arith.addi %broadcast_in_dim3A_212, %mul3A_215 : vector<16xi32>
    %gather3A_217 = tpu.vector_load_idx %arg5[%add3A_216] : memref<208xi32, #tpu.memory_space<vmem>>[vector<16xi32>], vector<16xi32>,
    %div3A_218 = arith.divsi %gather3A_217, %broadcast_in_dim3A_5 : vector<16xi32>
    %broadcast_in_dim3A_219 = vector.broadcast %div3A_209 : i32 to vector<16xi32>
    %add3A_220 = arith.addi %broadcast_in_dim3A_219, %div3A : vector<16xi32>
    %mul3A_221 = arith.constant 100 : i32
    %mul3A_222 = vector.broadcast %mul3A_221 : i32 to vector<16xi32>
    %mul3A_223 = arith.muli %add3A_220, %mul3A_222 : vector<16xi32>
    %add3A_224 = arith.addi %mul3A_223, %div3A_218 : vector<16xi32>
    %scan3A_225 = arith.constant 0 : i32
    %scan3A_226 = arith.constant 0 : i32
    %scan3A_227 = arith.constant 64 : i32
    %scan3A_228 = arith.addi %scan3A_226, %scan3A_227 : i32
    %scan3A_229 = arith.constant 1 : i32
    %scan3A_230 = scf.for %scan3A_600 = %scan3A_226 to %scan3A_228 step %scan3A_229 iter_args(%scan3A_601 = %scan3A_225) -> (i32)  : i32 {
      %mul3A_602 = arith.constant 400 : i32
      %mul3A_603 = arith.muli %scan3A_600, %mul3A_602 : i32
      %broadcast_in_dim3A_604 = vector.broadcast %mul3A_603 : i32 to vector<16xi32>
      %add3A_605 = arith.addi %add3A_224, %broadcast_in_dim3A_604 : vector<16xi32>
      %mul3A_606 = arith.constant 16 : i32
      %mul3A_607 = arith.muli %scan3A_600, %mul3A_606 : i32
      %swap3A = arith.index_cast %mul3A_607 : i32 to index
      %swap3A_608 = tpu.vector_load %arg8[%swap3A] {strides = array<i32>} : memref<1024xi32, #tpu.memory_space<vmem>>, vector<16xi32>,
      tpu.vector_store %arg8[%swap3A], %add3A_605 {strides = array<i32>} : memref<1024xi32, #tpu.memory_space<vmem>>, vector<16xi32>,
      %scan3A_609 = arith.constant 0 : i32
      scf.yield %scan3A_609 : i32
    }
    %scan3A_231 = arith.constant 64 : i32
    %dma_wait3A_232 = arith.constant 0 : i32
    %dma_wait3A_233 = arith.constant 0 : i32
    %dma_wait3A_234 = tpu.memref_slice %arg2[%dma_wait3A_232, %dma_wait3A_233] : memref<409600x32xf32, #tpu.memory_space<hbm>> -> memref<409600x32xf32, #tpu.memory_space<hbm>>
    tpu.wait_indirect_dma semaphore(%arg12 : memref<!tpu.dma_semaphore, #tpu.memory_space<semaphore_mem>>) src(%dma_wait3A_234 : memref<409600x32xf32, #tpu.memory_space<hbm>>) dst(%arg9 : memref<1024x32xf32, #tpu.memory_space<vmem>>)
    %add3A_235 = arith.constant 3072 : i32
    %add3A_236 = arith.addi %mul3A_2, %add3A_235 : i32
    %dma_start3A_237 = arith.constant 0 : i32
    %dma_start3A_238 = tpu.memref_slice %arg4[%add3A_236, %dma_start3A_237] : memref<425984x32xf32, #tpu.memory_space<hbm>> -> memref<1024x32xf32, #tpu.memory_space<hbm>>
    %dma_start3A_239 = arith.constant 0 : i32
    %dma_start3A_240 = tpu.memref_slice %arg4[%add3A_236, %dma_start3A_239] : memref<425984x32xf32, #tpu.memory_space<hbm>> -> memref<1024x32xf32, #tpu.memory_space<hbm>>
    tpu.enqueue_dma source(%arg9 : memref<1024x32xf32, #tpu.memory_space<vmem>>) target(%dma_start3A_240 : memref<1024x32xf32, #tpu.memory_space<hbm>>) target_semaphore(%arg15 : memref<!tpu.dma_semaphore, #tpu.memory_space<semaphore_mem>>)
    %dma_wait3A_241 = arith.constant 0 : i32
    %dma_wait3A_242 = tpu.memref_slice %arg4[%add3A_190, %dma_wait3A_241] : memref<425984x32xf32, #tpu.memory_space<hbm>> -> memref<1024x32xf32, #tpu.memory_space<hbm>>
    %dma_wait3A_243 = arith.constant 0 : i32
    %dma_wait3A_244 = tpu.memref_slice %arg4[%add3A_190, %dma_wait3A_243] : memref<425984x32xf32, #tpu.memory_space<hbm>> -> memref<1024x32xf32, #tpu.memory_space<hbm>>
    tpu.wait_dma2 semaphore(%arg17 : memref<!tpu.dma_semaphore, #tpu.memory_space<semaphore_mem>>) src(%arg11 : memref<1024x32xf32, #tpu.memory_space<vmem>>) dst(%dma_wait3A_244 : memref<1024x32xf32, #tpu.memory_space<hbm>>)
    %dma_start3A_245 = arith.constant 0 : i32
    %dma_start3A_246 = arith.constant 0 : i32
    %dma_start3A_247 = tpu.memref_slice %arg2[%dma_start3A_245, %dma_start3A_246] : memref<409600x32xf32, #tpu.memory_space<hbm>> -> memref<409600x32xf32, #tpu.memory_space<hbm>>
    tpu.enqueue_indirect_dma source(%dma_start3A_247 : memref<409600x32xf32, #tpu.memory_space<hbm>>) target(%arg11 : memref<1024x32xf32, #tpu.memory_space<vmem>>) offsets(%arg8 : memref<1024xi32, #tpu.memory_space<vmem>>) semaphore(%arg14 : memref<!tpu.dma_semaphore, #tpu.memory_space<semaphore_mem>>)
    %add3A_248 = arith.constant 6144 : i32
    %add3A_249 = arith.addi %mul3A_2, %add3A_248 : i32
    %div3A_250 = arith.constant 16384 : i32
    %div3A_251 = arith.divsi %add3A_249, %div3A_250 : i32
    %rem3A_252 = arith.constant 16384 : i32
    %rem3A_253 = arith.remsi %add3A_249, %rem3A_252 : i32
    %div3A_254 = arith.constant 4 : i32
    %div3A_255 = arith.divsi %rem3A_253, %div3A_254 : i32
    %mul3A_256 = arith.constant 8 : i32
    %mul3A_257 = arith.muli %div3A_251, %mul3A_256 : i32
    %broadcast_in_dim3A_258 = vector.broadcast %mul3A_257 : i32 to vector<16xi32>
    %mul3A_259 = arith.constant 2 : i32
    %mul3A_260 = vector.broadcast %mul3A_259 : i32 to vector<16xi32>
    %mul3A_261 = arith.muli %rem3A, %mul3A_260 : vector<16xi32>
    %add3A_262 = arith.addi %broadcast_in_dim3A_258, %mul3A_261 : vector<16xi32>
    %gather3A_263 = tpu.vector_load_idx %arg5[%add3A_262] : memref<208xi32, #tpu.memory_space<vmem>>[vector<16xi32>], vector<16xi32>,
    %div3A_264 = arith.divsi %gather3A_263, %broadcast_in_dim3A_5 : vector<16xi32>
    %broadcast_in_dim3A_265 = vector.broadcast %div3A_255 : i32 to vector<16xi32>
    %add3A_266 = arith.addi %broadcast_in_dim3A_265, %div3A : vector<16xi32>
    %mul3A_267 = arith.constant 100 : i32
    %mul3A_268 = vector.broadcast %mul3A_267 : i32 to vector<16xi32>
    %mul3A_269 = arith.muli %add3A_266, %mul3A_268 : vector<16xi32>
    %add3A_270 = arith.addi %mul3A_269, %div3A_264 : vector<16xi32>
    %scan3A_271 = arith.constant 0 : i32
    %scan3A_272 = arith.constant 0 : i32
    %scan3A_273 = arith.constant 64 : i32
    %scan3A_274 = arith.addi %scan3A_272, %scan3A_273 : i32
    %scan3A_275 = arith.constant 1 : i32
    %scan3A_276 = scf.for %scan3A_600 = %scan3A_272 to %scan3A_274 step %scan3A_275 iter_args(%scan3A_601 = %scan3A_271) -> (i32)  : i32 {
      %mul3A_602 = arith.constant 400 : i32
      %mul3A_603 = arith.muli %scan3A_600, %mul3A_602 : i32
      %broadcast_in_dim3A_604 = vector.broadcast %mul3A_603 : i32 to vector<16xi32>
      %add3A_605 = arith.addi %add3A_270, %broadcast_in_dim3A_604 : vector<16xi32>
      %mul3A_606 = arith.constant 16 : i32
      %mul3A_607 = arith.muli %scan3A_600, %mul3A_606 : i32
      %swap3A = arith.index_cast %mul3A_607 : i32 to index
      %swap3A_608 = tpu.vector_load %arg6[%swap3A] {strides = array<i32>} : memref<1024xi32, #tpu.memory_space<vmem>>, vector<16xi32>,
      tpu.vector_store %arg6[%swap3A], %add3A_605 {strides = array<i32>} : memref<1024xi32, #tpu.memory_space<vmem>>, vector<16xi32>,
      %scan3A_609 = arith.constant 0 : i32
      scf.yield %scan3A_609 : i32
    }
    %scan3A_277 = arith.constant 64 : i32
    %dma_wait3A_278 = arith.constant 0 : i32
    %dma_wait3A_279 = arith.constant 0 : i32
    %dma_wait3A_280 = tpu.memref_slice %arg2[%dma_wait3A_278, %dma_wait3A_279] : memref<409600x32xf32, #tpu.memory_space<hbm>> -> memref<409600x32xf32, #tpu.memory_space<hbm>>
    tpu.wait_indirect_dma semaphore(%arg13 : memref<!tpu.dma_semaphore, #tpu.memory_space<semaphore_mem>>) src(%dma_wait3A_280 : memref<409600x32xf32, #tpu.memory_space<hbm>>) dst(%arg10 : memref<1024x32xf32, #tpu.memory_space<vmem>>)
    %add3A_281 = arith.constant 4096 : i32
    %add3A_282 = arith.addi %mul3A_2, %add3A_281 : i32
    %dma_start3A_283 = arith.constant 0 : i32
    %dma_start3A_284 = tpu.memref_slice %arg4[%add3A_282, %dma_start3A_283] : memref<425984x32xf32, #tpu.memory_space<hbm>> -> memref<1024x32xf32, #tpu.memory_space<hbm>>
    %dma_start3A_285 = arith.constant 0 : i32
    %dma_start3A_286 = tpu.memref_slice %arg4[%add3A_282, %dma_start3A_285] : memref<425984x32xf32, #tpu.memory_space<hbm>> -> memref<1024x32xf32, #tpu.memory_space<hbm>>
    tpu.enqueue_dma source(%arg10 : memref<1024x32xf32, #tpu.memory_space<vmem>>) target(%dma_start3A_286 : memref<1024x32xf32, #tpu.memory_space<hbm>>) target_semaphore(%arg16 : memref<!tpu.dma_semaphore, #tpu.memory_space<semaphore_mem>>)
    %dma_wait3A_287 = arith.constant 0 : i32
    %dma_wait3A_288 = tpu.memref_slice %arg4[%add3A_236, %dma_wait3A_287] : memref<425984x32xf32, #tpu.memory_space<hbm>> -> memref<1024x32xf32, #tpu.memory_space<hbm>>
    %dma_wait3A_289 = arith.constant 0 : i32
    %dma_wait3A_290 = tpu.memref_slice %arg4[%add3A_236, %dma_wait3A_289] : memref<425984x32xf32, #tpu.memory_space<hbm>> -> memref<1024x32xf32, #tpu.memory_space<hbm>>
    tpu.wait_dma2 semaphore(%arg15 : memref<!tpu.dma_semaphore, #tpu.memory_space<semaphore_mem>>) src(%arg9 : memref<1024x32xf32, #tpu.memory_space<vmem>>) dst(%dma_wait3A_290 : memref<1024x32xf32, #tpu.memory_space<hbm>>)
    %dma_start3A_291 = arith.constant 0 : i32
    %dma_start3A_292 = arith.constant 0 : i32
    %dma_start3A_293 = tpu.memref_slice %arg2[%dma_start3A_291, %dma_start3A_292] : memref<409600x32xf32, #tpu.memory_space<hbm>> -> memref<409600x32xf32, #tpu.memory_space<hbm>>
    tpu.enqueue_indirect_dma source(%dma_start3A_293 : memref<409600x32xf32, #tpu.memory_space<hbm>>) target(%arg9 : memref<1024x32xf32, #tpu.memory_space<vmem>>) offsets(%arg6 : memref<1024xi32, #tpu.memory_space<vmem>>) semaphore(%arg12 : memref<!tpu.dma_semaphore, #tpu.memory_space<semaphore_mem>>)
    %add3A_294 = arith.constant 7168 : i32
    %add3A_295 = arith.addi %mul3A_2, %add3A_294 : i32
    %div3A_296 = arith.constant 16384 : i32
    %div3A_297 = arith.divsi %add3A_295, %div3A_296 : i32
    %rem3A_298 = arith.constant 16384 : i32
    %rem3A_299 = arith.remsi %add3A_295, %rem3A_298 : i32
    %div3A_300 = arith.constant 4 : i32
    %div3A_301 = arith.divsi %rem3A_299, %div3A_300 : i32
    %mul3A_302 = arith.constant 8 : i32
    %mul3A_303 = arith.muli %div3A_297, %mul3A_302 : i32
    %broadcast_in_dim3A_304 = vector.broadcast %mul3A_303 : i32 to vector<16xi32>
    %mul3A_305 = arith.constant 2 : i32
    %mul3A_306 = vector.broadcast %mul3A_305 : i32 to vector<16xi32>
    %mul3A_307 = arith.muli %rem3A, %mul3A_306 : vector<16xi32>
    %add3A_308 = arith.addi %broadcast_in_dim3A_304, %mul3A_307 : vector<16xi32>
    %gather3A_309 = tpu.vector_load_idx %arg5[%add3A_308] : memref<208xi32, #tpu.memory_space<vmem>>[vector<16xi32>], vector<16xi32>,
    %div3A_310 = arith.divsi %gather3A_309, %broadcast_in_dim3A_5 : vector<16xi32>
    %broadcast_in_dim3A_311 = vector.broadcast %div3A_301 : i32 to vector<16xi32>
    %add3A_312 = arith.addi %broadcast_in_dim3A_311, %div3A : vector<16xi32>
    %mul3A_313 = arith.constant 100 : i32
    %mul3A_314 = vector.broadcast %mul3A_313 : i32 to vector<16xi32>
    %mul3A_315 = arith.muli %add3A_312, %mul3A_314 : vector<16xi32>
    %add3A_316 = arith.addi %mul3A_315, %div3A_310 : vector<16xi32>
    %scan3A_317 = arith.constant 0 : i32
    %scan3A_318 = arith.constant 0 : i32
    %scan3A_319 = arith.constant 64 : i32
    %scan3A_320 = arith.addi %scan3A_318, %scan3A_319 : i32
    %scan3A_321 = arith.constant 1 : i32
    %scan3A_322 = scf.for %scan3A_600 = %scan3A_318 to %scan3A_320 step %scan3A_321 iter_args(%scan3A_601 = %scan3A_317) -> (i32)  : i32 {
      %mul3A_602 = arith.constant 400 : i32
      %mul3A_603 = arith.muli %scan3A_600, %mul3A_602 : i32
      %broadcast_in_dim3A_604 = vector.broadcast %mul3A_603 : i32 to vector<16xi32>
      %add3A_605 = arith.addi %add3A_316, %broadcast_in_dim3A_604 : vector<16xi32>
      %mul3A_606 = arith.constant 16 : i32
      %mul3A_607 = arith.muli %scan3A_600, %mul3A_606 : i32
      %swap3A = arith.index_cast %mul3A_607 : i32 to index
      %swap3A_608 = tpu.vector_load %arg7[%swap3A] {strides = array<i32>} : memref<1024xi32, #tpu.memory_space<vmem>>, vector<16xi32>,
      tpu.vector_store %arg7[%swap3A], %add3A_605 {strides = array<i32>} : memref<1024xi32, #tpu.memory_space<vmem>>, vector<16xi32>,
      %scan3A_609 = arith.constant 0 : i32
      scf.yield %scan3A_609 : i32
    }
    %scan3A_323 = arith.constant 64 : i32
    %dma_wait3A_324 = arith.constant 0 : i32
    %dma_wait3A_325 = arith.constant 0 : i32
    %dma_wait3A_326 = tpu.memref_slice %arg2[%dma_wait3A_324, %dma_wait3A_325] : memref<409600x32xf32, #tpu.memory_space<hbm>> -> memref<409600x32xf32, #tpu.memory_space<hbm>>
    tpu.wait_indirect_dma semaphore(%arg14 : memref<!tpu.dma_semaphore, #tpu.memory_space<semaphore_mem>>) src(%dma_wait3A_326 : memref<409600x32xf32, #tpu.memory_space<hbm>>) dst(%arg11 : memref<1024x32xf32, #tpu.memory_space<vmem>>)
    %add3A_327 = arith.constant 5120 : i32
    %add3A_328 = arith.addi %mul3A_2, %add3A_327 : i32
    %dma_start3A_329 = arith.constant 0 : i32
    %dma_start3A_330 = tpu.memref_slice %arg4[%add3A_328, %dma_start3A_329] : memref<425984x32xf32, #tpu.memory_space<hbm>> -> memref<1024x32xf32, #tpu.memory_space<hbm>>
    %dma_start3A_331 = arith.constant 0 : i32
    %dma_start3A_332 = tpu.memref_slice %arg4[%add3A_328, %dma_start3A_331] : memref<425984x32xf32, #tpu.memory_space<hbm>> -> memref<1024x32xf32, #tpu.memory_space<hbm>>
    tpu.enqueue_dma source(%arg11 : memref<1024x32xf32, #tpu.memory_space<vmem>>) target(%dma_start3A_332 : memref<1024x32xf32, #tpu.memory_space<hbm>>) target_semaphore(%arg17 : memref<!tpu.dma_semaphore, #tpu.memory_space<semaphore_mem>>)
    %dma_wait3A_333 = arith.constant 0 : i32
    %dma_wait3A_334 = tpu.memref_slice %arg4[%add3A_282, %dma_wait3A_333] : memref<425984x32xf32, #tpu.memory_space<hbm>> -> memref<1024x32xf32, #tpu.memory_space<hbm>>
    %dma_wait3A_335 = arith.constant 0 : i32
    %dma_wait3A_336 = tpu.memref_slice %arg4[%add3A_282, %dma_wait3A_335] : memref<425984x32xf32, #tpu.memory_space<hbm>> -> memref<1024x32xf32, #tpu.memory_space<hbm>>
    tpu.wait_dma2 semaphore(%arg16 : memref<!tpu.dma_semaphore, #tpu.memory_space<semaphore_mem>>) src(%arg10 : memref<1024x32xf32, #tpu.memory_space<vmem>>) dst(%dma_wait3A_336 : memref<1024x32xf32, #tpu.memory_space<hbm>>)
    %dma_start3A_337 = arith.constant 0 : i32
    %dma_start3A_338 = arith.constant 0 : i32
    %dma_start3A_339 = tpu.memref_slice %arg2[%dma_start3A_337, %dma_start3A_338] : memref<409600x32xf32, #tpu.memory_space<hbm>> -> memref<409600x32xf32, #tpu.memory_space<hbm>>
    tpu.enqueue_indirect_dma source(%dma_start3A_339 : memref<409600x32xf32, #tpu.memory_space<hbm>>) target(%arg10 : memref<1024x32xf32, #tpu.memory_space<vmem>>) offsets(%arg7 : memref<1024xi32, #tpu.memory_space<vmem>>) semaphore(%arg13 : memref<!tpu.dma_semaphore, #tpu.memory_space<semaphore_mem>>)
    %add3A_340 = arith.constant 8192 : i32
    %add3A_341 = arith.addi %mul3A_2, %add3A_340 : i32
    %div3A_342 = arith.constant 16384 : i32
    %div3A_343 = arith.divsi %add3A_341, %div3A_342 : i32
    %rem3A_344 = arith.constant 16384 : i32
    %rem3A_345 = arith.remsi %add3A_341, %rem3A_344 : i32
    %div3A_346 = arith.constant 4 : i32
    %div3A_347 = arith.divsi %rem3A_345, %div3A_346 : i32
    %mul3A_348 = arith.constant 8 : i32
    %mul3A_349 = arith.muli %div3A_343, %mul3A_348 : i32
    %broadcast_in_dim3A_350 = vector.broadcast %mul3A_349 : i32 to vector<16xi32>
    %mul3A_351 = arith.constant 2 : i32
    %mul3A_352 = vector.broadcast %mul3A_351 : i32 to vector<16xi32>
    %mul3A_353 = arith.muli %rem3A, %mul3A_352 : vector<16xi32>
    %add3A_354 = arith.addi %broadcast_in_dim3A_350, %mul3A_353 : vector<16xi32>
    %gather3A_355 = tpu.vector_load_idx %arg5[%add3A_354] : memref<208xi32, #tpu.memory_space<vmem>>[vector<16xi32>], vector<16xi32>,
    %div3A_356 = arith.divsi %gather3A_355, %broadcast_in_dim3A_5 : vector<16xi32>
    %broadcast_in_dim3A_357 = vector.broadcast %div3A_347 : i32 to vector<16xi32>
    %add3A_358 = arith.addi %broadcast_in_dim3A_357, %div3A : vector<16xi32>
    %mul3A_359 = arith.constant 100 : i32
    %mul3A_360 = vector.broadcast %mul3A_359 : i32 to vector<16xi32>
    %mul3A_361 = arith.muli %add3A_358, %mul3A_360 : vector<16xi32>
    %add3A_362 = arith.addi %mul3A_361, %div3A_356 : vector<16xi32>
    %scan3A_363 = arith.constant 0 : i32
    %scan3A_364 = arith.constant 0 : i32
    %scan3A_365 = arith.constant 64 : i32
    %scan3A_366 = arith.addi %scan3A_364, %scan3A_365 : i32
    %scan3A_367 = arith.constant 1 : i32
    %scan3A_368 = scf.for %scan3A_600 = %scan3A_364 to %scan3A_366 step %scan3A_367 iter_args(%scan3A_601 = %scan3A_363) -> (i32)  : i32 {
      %mul3A_602 = arith.constant 400 : i32
      %mul3A_603 = arith.muli %scan3A_600, %mul3A_602 : i32
      %broadcast_in_dim3A_604 = vector.broadcast %mul3A_603 : i32 to vector<16xi32>
      %add3A_605 = arith.addi %add3A_362, %broadcast_in_dim3A_604 : vector<16xi32>
      %mul3A_606 = arith.constant 16 : i32
      %mul3A_607 = arith.muli %scan3A_600, %mul3A_606 : i32
      %swap3A = arith.index_cast %mul3A_607 : i32 to index
      %swap3A_608 = tpu.vector_load %arg8[%swap3A] {strides = array<i32>} : memref<1024xi32, #tpu.memory_space<vmem>>, vector<16xi32>,
      tpu.vector_store %arg8[%swap3A], %add3A_605 {strides = array<i32>} : memref<1024xi32, #tpu.memory_space<vmem>>, vector<16xi32>,
      %scan3A_609 = arith.constant 0 : i32
      scf.yield %scan3A_609 : i32
    }
    %scan3A_369 = arith.constant 64 : i32
    %dma_wait3A_370 = arith.constant 0 : i32
    %dma_wait3A_371 = arith.constant 0 : i32
    %dma_wait3A_372 = tpu.memref_slice %arg2[%dma_wait3A_370, %dma_wait3A_371] : memref<409600x32xf32, #tpu.memory_space<hbm>> -> memref<409600x32xf32, #tpu.memory_space<hbm>>
    tpu.wait_indirect_dma semaphore(%arg12 : memref<!tpu.dma_semaphore, #tpu.memory_space<semaphore_mem>>) src(%dma_wait3A_372 : memref<409600x32xf32, #tpu.memory_space<hbm>>) dst(%arg9 : memref<1024x32xf32, #tpu.memory_space<vmem>>)
    %add3A_373 = arith.constant 6144 : i32
    %add3A_374 = arith.addi %mul3A_2, %add3A_373 : i32
    %dma_start3A_375 = arith.constant 0 : i32
    %dma_start3A_376 = tpu.memref_slice %arg4[%add3A_374, %dma_start3A_375] : memref<425984x32xf32, #tpu.memory_space<hbm>> -> memref<1024x32xf32, #tpu.memory_space<hbm>>
    %dma_start3A_377 = arith.constant 0 : i32
    %dma_start3A_378 = tpu.memref_slice %arg4[%add3A_374, %dma_start3A_377] : memref<425984x32xf32, #tpu.memory_space<hbm>> -> memref<1024x32xf32, #tpu.memory_space<hbm>>
    tpu.enqueue_dma source(%arg9 : memref<1024x32xf32, #tpu.memory_space<vmem>>) target(%dma_start3A_378 : memref<1024x32xf32, #tpu.memory_space<hbm>>) target_semaphore(%arg15 : memref<!tpu.dma_semaphore, #tpu.memory_space<semaphore_mem>>)
    %dma_wait3A_379 = arith.constant 0 : i32
    %dma_wait3A_380 = tpu.memref_slice %arg4[%add3A_328, %dma_wait3A_379] : memref<425984x32xf32, #tpu.memory_space<hbm>> -> memref<1024x32xf32, #tpu.memory_space<hbm>>
    %dma_wait3A_381 = arith.constant 0 : i32
    %dma_wait3A_382 = tpu.memref_slice %arg4[%add3A_328, %dma_wait3A_381] : memref<425984x32xf32, #tpu.memory_space<hbm>> -> memref<1024x32xf32, #tpu.memory_space<hbm>>
    tpu.wait_dma2 semaphore(%arg17 : memref<!tpu.dma_semaphore, #tpu.memory_space<semaphore_mem>>) src(%arg11 : memref<1024x32xf32, #tpu.memory_space<vmem>>) dst(%dma_wait3A_382 : memref<1024x32xf32, #tpu.memory_space<hbm>>)
    %dma_start3A_383 = arith.constant 0 : i32
    %dma_start3A_384 = arith.constant 0 : i32
    %dma_start3A_385 = tpu.memref_slice %arg2[%dma_start3A_383, %dma_start3A_384] : memref<409600x32xf32, #tpu.memory_space<hbm>> -> memref<409600x32xf32, #tpu.memory_space<hbm>>
    tpu.enqueue_indirect_dma source(%dma_start3A_385 : memref<409600x32xf32, #tpu.memory_space<hbm>>) target(%arg11 : memref<1024x32xf32, #tpu.memory_space<vmem>>) offsets(%arg8 : memref<1024xi32, #tpu.memory_space<vmem>>) semaphore(%arg14 : memref<!tpu.dma_semaphore, #tpu.memory_space<semaphore_mem>>)
    %add3A_386 = arith.constant 9216 : i32
    %add3A_387 = arith.addi %mul3A_2, %add3A_386 : i32
    %div3A_388 = arith.constant 16384 : i32
    %div3A_389 = arith.divsi %add3A_387, %div3A_388 : i32
    %rem3A_390 = arith.constant 16384 : i32
    %rem3A_391 = arith.remsi %add3A_387, %rem3A_390 : i32
    %div3A_392 = arith.constant 4 : i32
    %div3A_393 = arith.divsi %rem3A_391, %div3A_392 : i32
    %mul3A_394 = arith.constant 8 : i32
    %mul3A_395 = arith.muli %div3A_389, %mul3A_394 : i32
    %broadcast_in_dim3A_396 = vector.broadcast %mul3A_395 : i32 to vector<16xi32>
    %mul3A_397 = arith.constant 2 : i32
    %mul3A_398 = vector.broadcast %mul3A_397 : i32 to vector<16xi32>
    %mul3A_399 = arith.muli %rem3A, %mul3A_398 : vector<16xi32>
    %add3A_400 = arith.addi %broadcast_in_dim3A_396, %mul3A_399 : vector<16xi32>
    %gather3A_401 = tpu.vector_load_idx %arg5[%add3A_400] : memref<208xi32, #tpu.memory_space<vmem>>[vector<16xi32>], vector<16xi32>,
    %div3A_402 = arith.divsi %gather3A_401, %broadcast_in_dim3A_5 : vector<16xi32>
    %broadcast_in_dim3A_403 = vector.broadcast %div3A_393 : i32 to vector<16xi32>
    %add3A_404 = arith.addi %broadcast_in_dim3A_403, %div3A : vector<16xi32>
    %mul3A_405 = arith.constant 100 : i32
    %mul3A_406 = vector.broadcast %mul3A_405 : i32 to vector<16xi32>
    %mul3A_407 = arith.muli %add3A_404, %mul3A_406 : vector<16xi32>
    %add3A_408 = arith.addi %mul3A_407, %div3A_402 : vector<16xi32>
    %scan3A_409 = arith.constant 0 : i32
    %scan3A_410 = arith.constant 0 : i32
    %scan3A_411 = arith.constant 64 : i32
    %scan3A_412 = arith.addi %scan3A_410, %scan3A_411 : i32
    %scan3A_413 = arith.constant 1 : i32
    %scan3A_414 = scf.for %scan3A_600 = %scan3A_410 to %scan3A_412 step %scan3A_413 iter_args(%scan3A_601 = %scan3A_409) -> (i32)  : i32 {
      %mul3A_602 = arith.constant 400 : i32
      %mul3A_603 = arith.muli %scan3A_600, %mul3A_602 : i32
      %broadcast_in_dim3A_604 = vector.broadcast %mul3A_603 : i32 to vector<16xi32>
      %add3A_605 = arith.addi %add3A_408, %broadcast_in_dim3A_604 : vector<16xi32>
      %mul3A_606 = arith.constant 16 : i32
      %mul3A_607 = arith.muli %scan3A_600, %mul3A_606 : i32
      %swap3A = arith.index_cast %mul3A_607 : i32 to index
      %swap3A_608 = tpu.vector_load %arg6[%swap3A] {strides = array<i32>} : memref<1024xi32, #tpu.memory_space<vmem>>, vector<16xi32>,
      tpu.vector_store %arg6[%swap3A], %add3A_605 {strides = array<i32>} : memref<1024xi32, #tpu.memory_space<vmem>>, vector<16xi32>,
      %scan3A_609 = arith.constant 0 : i32
      scf.yield %scan3A_609 : i32
    }
    %scan3A_415 = arith.constant 64 : i32
    %dma_wait3A_416 = arith.constant 0 : i32
    %dma_wait3A_417 = arith.constant 0 : i32
    %dma_wait3A_418 = tpu.memref_slice %arg2[%dma_wait3A_416, %dma_wait3A_417] : memref<409600x32xf32, #tpu.memory_space<hbm>> -> memref<409600x32xf32, #tpu.memory_space<hbm>>
    tpu.wait_indirect_dma semaphore(%arg13 : memref<!tpu.dma_semaphore, #tpu.memory_space<semaphore_mem>>) src(%dma_wait3A_418 : memref<409600x32xf32, #tpu.memory_space<hbm>>) dst(%arg10 : memref<1024x32xf32, #tpu.memory_space<vmem>>)
    %add3A_419 = arith.constant 7168 : i32
    %add3A_420 = arith.addi %mul3A_2, %add3A_419 : i32
    %dma_start3A_421 = arith.constant 0 : i32
    %dma_start3A_422 = tpu.memref_slice %arg4[%add3A_420, %dma_start3A_421] : memref<425984x32xf32, #tpu.memory_space<hbm>> -> memref<1024x32xf32, #tpu.memory_space<hbm>>
    %dma_start3A_423 = arith.constant 0 : i32
    %dma_start3A_424 = tpu.memref_slice %arg4[%add3A_420, %dma_start3A_423] : memref<425984x32xf32, #tpu.memory_space<hbm>> -> memref<1024x32xf32, #tpu.memory_space<hbm>>
    tpu.enqueue_dma source(%arg10 : memref<1024x32xf32, #tpu.memory_space<vmem>>) target(%dma_start3A_424 : memref<1024x32xf32, #tpu.memory_space<hbm>>) target_semaphore(%arg16 : memref<!tpu.dma_semaphore, #tpu.memory_space<semaphore_mem>>)
    %dma_wait3A_425 = arith.constant 0 : i32
    %dma_wait3A_426 = tpu.memref_slice %arg4[%add3A_374, %dma_wait3A_425] : memref<425984x32xf32, #tpu.memory_space<hbm>> -> memref<1024x32xf32, #tpu.memory_space<hbm>>
    %dma_wait3A_427 = arith.constant 0 : i32
    %dma_wait3A_428 = tpu.memref_slice %arg4[%add3A_374, %dma_wait3A_427] : memref<425984x32xf32, #tpu.memory_space<hbm>> -> memref<1024x32xf32, #tpu.memory_space<hbm>>
    tpu.wait_dma2 semaphore(%arg15 : memref<!tpu.dma_semaphore, #tpu.memory_space<semaphore_mem>>) src(%arg9 : memref<1024x32xf32, #tpu.memory_space<vmem>>) dst(%dma_wait3A_428 : memref<1024x32xf32, #tpu.memory_space<hbm>>)
    %dma_start3A_429 = arith.constant 0 : i32
    %dma_start3A_430 = arith.constant 0 : i32
    %dma_start3A_431 = tpu.memref_slice %arg2[%dma_start3A_429, %dma_start3A_430] : memref<409600x32xf32, #tpu.memory_space<hbm>> -> memref<409600x32xf32, #tpu.memory_space<hbm>>
    tpu.enqueue_indirect_dma source(%dma_start3A_431 : memref<409600x32xf32, #tpu.memory_space<hbm>>) target(%arg9 : memref<1024x32xf32, #tpu.memory_space<vmem>>) offsets(%arg6 : memref<1024xi32, #tpu.memory_space<vmem>>) semaphore(%arg12 : memref<!tpu.dma_semaphore, #tpu.memory_space<semaphore_mem>>)
    %add3A_432 = arith.constant 10240 : i32
    %add3A_433 = arith.addi %mul3A_2, %add3A_432 : i32
    %div3A_434 = arith.constant 16384 : i32
    %div3A_435 = arith.divsi %add3A_433, %div3A_434 : i32
    %rem3A_436 = arith.constant 16384 : i32
    %rem3A_437 = arith.remsi %add3A_433, %rem3A_436 : i32
    %div3A_438 = arith.constant 4 : i32
    %div3A_439 = arith.divsi %rem3A_437, %div3A_438 : i32
    %mul3A_440 = arith.constant 8 : i32
    %mul3A_441 = arith.muli %div3A_435, %mul3A_440 : i32
    %broadcast_in_dim3A_442 = vector.broadcast %mul3A_441 : i32 to vector<16xi32>
    %mul3A_443 = arith.constant 2 : i32
    %mul3A_444 = vector.broadcast %mul3A_443 : i32 to vector<16xi32>
    %mul3A_445 = arith.muli %rem3A, %mul3A_444 : vector<16xi32>
    %add3A_446 = arith.addi %broadcast_in_dim3A_442, %mul3A_445 : vector<16xi32>
    %gather3A_447 = tpu.vector_load_idx %arg5[%add3A_446] : memref<208xi32, #tpu.memory_space<vmem>>[vector<16xi32>], vector<16xi32>,
    %div3A_448 = arith.divsi %gather3A_447, %broadcast_in_dim3A_5 : vector<16xi32>
    %broadcast_in_dim3A_449 = vector.broadcast %div3A_439 : i32 to vector<16xi32>
    %add3A_450 = arith.addi %broadcast_in_dim3A_449, %div3A : vector<16xi32>
    %mul3A_451 = arith.constant 100 : i32
    %mul3A_452 = vector.broadcast %mul3A_451 : i32 to vector<16xi32>
    %mul3A_453 = arith.muli %add3A_450, %mul3A_452 : vector<16xi32>
    %add3A_454 = arith.addi %mul3A_453, %div3A_448 : vector<16xi32>
    %scan3A_455 = arith.constant 0 : i32
    %scan3A_456 = arith.constant 0 : i32
    %scan3A_457 = arith.constant 64 : i32
    %scan3A_458 = arith.addi %scan3A_456, %scan3A_457 : i32
    %scan3A_459 = arith.constant 1 : i32
    %scan3A_460 = scf.for %scan3A_600 = %scan3A_456 to %scan3A_458 step %scan3A_459 iter_args(%scan3A_601 = %scan3A_455) -> (i32)  : i32 {
      %mul3A_602 = arith.constant 400 : i32
      %mul3A_603 = arith.muli %scan3A_600, %mul3A_602 : i32
      %broadcast_in_dim3A_604 = vector.broadcast %mul3A_603 : i32 to vector<16xi32>
      %add3A_605 = arith.addi %add3A_454, %broadcast_in_dim3A_604 : vector<16xi32>
      %mul3A_606 = arith.constant 16 : i32
      %mul3A_607 = arith.muli %scan3A_600, %mul3A_606 : i32
      %swap3A = arith.index_cast %mul3A_607 : i32 to index
      %swap3A_608 = tpu.vector_load %arg7[%swap3A] {strides = array<i32>} : memref<1024xi32, #tpu.memory_space<vmem>>, vector<16xi32>,
      tpu.vector_store %arg7[%swap3A], %add3A_605 {strides = array<i32>} : memref<1024xi32, #tpu.memory_space<vmem>>, vector<16xi32>,
      %scan3A_609 = arith.constant 0 : i32
      scf.yield %scan3A_609 : i32
    }
    %scan3A_461 = arith.constant 64 : i32
    %dma_wait3A_462 = arith.constant 0 : i32
    %dma_wait3A_463 = arith.constant 0 : i32
    %dma_wait3A_464 = tpu.memref_slice %arg2[%dma_wait3A_462, %dma_wait3A_463] : memref<409600x32xf32, #tpu.memory_space<hbm>> -> memref<409600x32xf32, #tpu.memory_space<hbm>>
    tpu.wait_indirect_dma semaphore(%arg14 : memref<!tpu.dma_semaphore, #tpu.memory_space<semaphore_mem>>) src(%dma_wait3A_464 : memref<409600x32xf32, #tpu.memory_space<hbm>>) dst(%arg11 : memref<1024x32xf32, #tpu.memory_space<vmem>>)
    %add3A_465 = arith.constant 8192 : i32
    %add3A_466 = arith.addi %mul3A_2, %add3A_465 : i32
    %dma_start3A_467 = arith.constant 0 : i32
    %dma_start3A_468 = tpu.memref_slice %arg4[%add3A_466, %dma_start3A_467] : memref<425984x32xf32, #tpu.memory_space<hbm>> -> memref<1024x32xf32, #tpu.memory_space<hbm>>
    %dma_start3A_469 = arith.constant 0 : i32
    %dma_start3A_470 = tpu.memref_slice %arg4[%add3A_466, %dma_start3A_469] : memref<425984x32xf32, #tpu.memory_space<hbm>> -> memref<1024x32xf32, #tpu.memory_space<hbm>>
    tpu.enqueue_dma source(%arg11 : memref<1024x32xf32, #tpu.memory_space<vmem>>) target(%dma_start3A_470 : memref<1024x32xf32, #tpu.memory_space<hbm>>) target_semaphore(%arg17 : memref<!tpu.dma_semaphore, #tpu.memory_space<semaphore_mem>>)
    %dma_wait3A_471 = arith.constant 0 : i32
    %dma_wait3A_472 = tpu.memref_slice %arg4[%add3A_420, %dma_wait3A_471] : memref<425984x32xf32, #tpu.memory_space<hbm>> -> memref<1024x32xf32, #tpu.memory_space<hbm>>
    %dma_wait3A_473 = arith.constant 0 : i32
    %dma_wait3A_474 = tpu.memref_slice %arg4[%add3A_420, %dma_wait3A_473] : memref<425984x32xf32, #tpu.memory_space<hbm>> -> memref<1024x32xf32, #tpu.memory_space<hbm>>
    tpu.wait_dma2 semaphore(%arg16 : memref<!tpu.dma_semaphore, #tpu.memory_space<semaphore_mem>>) src(%arg10 : memref<1024x32xf32, #tpu.memory_space<vmem>>) dst(%dma_wait3A_474 : memref<1024x32xf32, #tpu.memory_space<hbm>>)
    %dma_start3A_475 = arith.constant 0 : i32
    %dma_start3A_476 = arith.constant 0 : i32
    %dma_start3A_477 = tpu.memref_slice %arg2[%dma_start3A_475, %dma_start3A_476] : memref<409600x32xf32, #tpu.memory_space<hbm>> -> memref<409600x32xf32, #tpu.memory_space<hbm>>
    tpu.enqueue_indirect_dma source(%dma_start3A_477 : memref<409600x32xf32, #tpu.memory_space<hbm>>) target(%arg10 : memref<1024x32xf32, #tpu.memory_space<vmem>>) offsets(%arg7 : memref<1024xi32, #tpu.memory_space<vmem>>) semaphore(%arg13 : memref<!tpu.dma_semaphore, #tpu.memory_space<semaphore_mem>>)
    %add3A_478 = arith.constant 11264 : i32
    %add3A_479 = arith.addi %mul3A_2, %add3A_478 : i32
    %div3A_480 = arith.constant 16384 : i32
    %div3A_481 = arith.divsi %add3A_479, %div3A_480 : i32
    %rem3A_482 = arith.constant 16384 : i32
    %rem3A_483 = arith.remsi %add3A_479, %rem3A_482 : i32
    %div3A_484 = arith.constant 4 : i32
    %div3A_485 = arith.divsi %rem3A_483, %div3A_484 : i32
    %mul3A_486 = arith.constant 8 : i32
    %mul3A_487 = arith.muli %div3A_481, %mul3A_486 : i32
    %broadcast_in_dim3A_488 = vector.broadcast %mul3A_487 : i32 to vector<16xi32>
    %mul3A_489 = arith.constant 2 : i32
    %mul3A_490 = vector.broadcast %mul3A_489 : i32 to vector<16xi32>
    %mul3A_491 = arith.muli %rem3A, %mul3A_490 : vector<16xi32>
    %add3A_492 = arith.addi %broadcast_in_dim3A_488, %mul3A_491 : vector<16xi32>
    %gather3A_493 = tpu.vector_load_idx %arg5[%add3A_492] : memref<208xi32, #tpu.memory_space<vmem>>[vector<16xi32>], vector<16xi32>,
    %div3A_494 = arith.divsi %gather3A_493, %broadcast_in_dim3A_5 : vector<16xi32>
    %broadcast_in_dim3A_495 = vector.broadcast %div3A_485 : i32 to vector<16xi32>
    %add3A_496 = arith.addi %broadcast_in_dim3A_495, %div3A : vector<16xi32>
    %mul3A_497 = arith.constant 100 : i32
    %mul3A_498 = vector.broadcast %mul3A_497 : i32 to vector<16xi32>
    %mul3A_499 = arith.muli %add3A_496, %mul3A_498 : vector<16xi32>
    %add3A_500 = arith.addi %mul3A_499, %div3A_494 : vector<16xi32>
    %scan3A_501 = arith.constant 0 : i32
    %scan3A_502 = arith.constant 0 : i32
    %scan3A_503 = arith.constant 64 : i32
    %scan3A_504 = arith.addi %scan3A_502, %scan3A_503 : i32
    %scan3A_505 = arith.constant 1 : i32
    %scan3A_506 = scf.for %scan3A_600 = %scan3A_502 to %scan3A_504 step %scan3A_505 iter_args(%scan3A_601 = %scan3A_501) -> (i32)  : i32 {
      %mul3A_602 = arith.constant 400 : i32
      %mul3A_603 = arith.muli %scan3A_600, %mul3A_602 : i32
      %broadcast_in_dim3A_604 = vector.broadcast %mul3A_603 : i32 to vector<16xi32>
      %add3A_605 = arith.addi %add3A_500, %broadcast_in_dim3A_604 : vector<16xi32>
      %mul3A_606 = arith.constant 16 : i32
      %mul3A_607 = arith.muli %scan3A_600, %mul3A_606 : i32
      %swap3A = arith.index_cast %mul3A_607 : i32 to index
      %swap3A_608 = tpu.vector_load %arg8[%swap3A] {strides = array<i32>} : memref<1024xi32, #tpu.memory_space<vmem>>, vector<16xi32>,
      tpu.vector_store %arg8[%swap3A], %add3A_605 {strides = array<i32>} : memref<1024xi32, #tpu.memory_space<vmem>>, vector<16xi32>,
      %scan3A_609 = arith.constant 0 : i32
      scf.yield %scan3A_609 : i32
    }
    %scan3A_507 = arith.constant 64 : i32
    %dma_wait3A_508 = arith.constant 0 : i32
    %dma_wait3A_509 = arith.constant 0 : i32
    %dma_wait3A_510 = tpu.memref_slice %arg2[%dma_wait3A_508, %dma_wait3A_509] : memref<409600x32xf32, #tpu.memory_space<hbm>> -> memref<409600x32xf32, #tpu.memory_space<hbm>>
    tpu.wait_indirect_dma semaphore(%arg12 : memref<!tpu.dma_semaphore, #tpu.memory_space<semaphore_mem>>) src(%dma_wait3A_510 : memref<409600x32xf32, #tpu.memory_space<hbm>>) dst(%arg9 : memref<1024x32xf32, #tpu.memory_space<vmem>>)
    %add3A_511 = arith.constant 9216 : i32
    %add3A_512 = arith.addi %mul3A_2, %add3A_511 : i32
    %dma_start3A_513 = arith.constant 0 : i32
    %dma_start3A_514 = tpu.memref_slice %arg4[%add3A_512, %dma_start3A_513] : memref<425984x32xf32, #tpu.memory_space<hbm>> -> memref<1024x32xf32, #tpu.memory_space<hbm>>
    %dma_start3A_515 = arith.constant 0 : i32
    %dma_start3A_516 = tpu.memref_slice %arg4[%add3A_512, %dma_start3A_515] : memref<425984x32xf32, #tpu.memory_space<hbm>> -> memref<1024x32xf32, #tpu.memory_space<hbm>>
    tpu.enqueue_dma source(%arg9 : memref<1024x32xf32, #tpu.memory_space<vmem>>) target(%dma_start3A_516 : memref<1024x32xf32, #tpu.memory_space<hbm>>) target_semaphore(%arg15 : memref<!tpu.dma_semaphore, #tpu.memory_space<semaphore_mem>>)
    %dma_wait3A_517 = arith.constant 0 : i32
    %dma_wait3A_518 = tpu.memref_slice %arg4[%add3A_466, %dma_wait3A_517] : memref<425984x32xf32, #tpu.memory_space<hbm>> -> memref<1024x32xf32, #tpu.memory_space<hbm>>
    %dma_wait3A_519 = arith.constant 0 : i32
    %dma_wait3A_520 = tpu.memref_slice %arg4[%add3A_466, %dma_wait3A_519] : memref<425984x32xf32, #tpu.memory_space<hbm>> -> memref<1024x32xf32, #tpu.memory_space<hbm>>
    tpu.wait_dma2 semaphore(%arg17 : memref<!tpu.dma_semaphore, #tpu.memory_space<semaphore_mem>>) src(%arg11 : memref<1024x32xf32, #tpu.memory_space<vmem>>) dst(%dma_wait3A_520 : memref<1024x32xf32, #tpu.memory_space<hbm>>)
    %dma_start3A_521 = arith.constant 0 : i32
    %dma_start3A_522 = arith.constant 0 : i32
    %dma_start3A_523 = tpu.memref_slice %arg2[%dma_start3A_521, %dma_start3A_522] : memref<409600x32xf32, #tpu.memory_space<hbm>> -> memref<409600x32xf32, #tpu.memory_space<hbm>>
    tpu.enqueue_indirect_dma source(%dma_start3A_523 : memref<409600x32xf32, #tpu.memory_space<hbm>>) target(%arg11 : memref<1024x32xf32, #tpu.memory_space<vmem>>) offsets(%arg8 : memref<1024xi32, #tpu.memory_space<vmem>>) semaphore(%arg14 : memref<!tpu.dma_semaphore, #tpu.memory_space<semaphore_mem>>)
    %add3A_524 = arith.constant 12288 : i32
    %add3A_525 = arith.addi %mul3A_2, %add3A_524 : i32
    %div3A_526 = arith.constant 16384 : i32
    %div3A_527 = arith.divsi %add3A_525, %div3A_526 : i32
    %rem3A_528 = arith.constant 16384 : i32
    %rem3A_529 = arith.remsi %add3A_525, %rem3A_528 : i32
    %div3A_530 = arith.constant 4 : i32
    %div3A_531 = arith.divsi %rem3A_529, %div3A_530 : i32
    %mul3A_532 = arith.constant 8 : i32
    %mul3A_533 = arith.muli %div3A_527, %mul3A_532 : i32
    %broadcast_in_dim3A_534 = vector.broadcast %mul3A_533 : i32 to vector<16xi32>
    %mul3A_535 = arith.constant 2 : i32
    %mul3A_536 = vector.broadcast %mul3A_535 : i32 to vector<16xi32>
    %mul3A_537 = arith.muli %rem3A, %mul3A_536 : vector<16xi32>
    %add3A_538 = arith.addi %broadcast_in_dim3A_534, %mul3A_537 : vector<16xi32>
    %gather3A_539 = tpu.vector_load_idx %arg5[%add3A_538] : memref<208xi32, #tpu.memory_space<vmem>>[vector<16xi32>], vector<16xi32>,
    %div3A_540 = arith.divsi %gather3A_539, %broadcast_in_dim3A_5 : vector<16xi32>
    %broadcast_in_dim3A_541 = vector.broadcast %div3A_531 : i32 to vector<16xi32>
    %add3A_542 = arith.addi %broadcast_in_dim3A_541, %div3A : vector<16xi32>
    %mul3A_543 = arith.constant 100 : i32
    %mul3A_544 = vector.broadcast %mul3A_543 : i32 to vector<16xi32>
    %mul3A_545 = arith.muli %add3A_542, %mul3A_544 : vector<16xi32>
    %add3A_546 = arith.addi %mul3A_545, %div3A_540 : vector<16xi32>
    %scan3A_547 = arith.constant 0 : i32
    %scan3A_548 = arith.constant 0 : i32
    %scan3A_549 = arith.constant 64 : i32
    %scan3A_550 = arith.addi %scan3A_548, %scan3A_549 : i32
    %scan3A_551 = arith.constant 1 : i32
    %scan3A_552 = scf.for %scan3A_600 = %scan3A_548 to %scan3A_550 step %scan3A_551 iter_args(%scan3A_601 = %scan3A_547) -> (i32)  : i32 {
      %mul3A_602 = arith.constant 400 : i32
      %mul3A_603 = arith.muli %scan3A_600, %mul3A_602 : i32
      %broadcast_in_dim3A_604 = vector.broadcast %mul3A_603 : i32 to vector<16xi32>
      %add3A_605 = arith.addi %add3A_546, %broadcast_in_dim3A_604 : vector<16xi32>
      %mul3A_606 = arith.constant 16 : i32
      %mul3A_607 = arith.muli %scan3A_600, %mul3A_606 : i32
      %swap3A = arith.index_cast %mul3A_607 : i32 to index
      %swap3A_608 = tpu.vector_load %arg6[%swap3A] {strides = array<i32>} : memref<1024xi32, #tpu.memory_space<vmem>>, vector<16xi32>,
      tpu.vector_store %arg6[%swap3A], %add3A_605 {strides = array<i32>} : memref<1024xi32, #tpu.memory_space<vmem>>, vector<16xi32>,
      %scan3A_609 = arith.constant 0 : i32
      scf.yield %scan3A_609 : i32
    }
    %scan3A_553 = arith.constant 64 : i32
    %dma_wait3A_554 = arith.constant 0 : i32
    %dma_wait3A_555 = arith.constant 0 : i32
    %dma_wait3A_556 = tpu.memref_slice %arg2[%dma_wait3A_554, %dma_wait3A_555] : memref<409600x32xf32, #tpu.memory_space<hbm>> -> memref<409600x32xf32, #tpu.memory_space<hbm>>
    tpu.wait_indirect_dma semaphore(%arg13 : memref<!tpu.dma_semaphore, #tpu.memory_space<semaphore_mem>>) src(%dma_wait3A_556 : memref<409600x32xf32, #tpu.memory_space<hbm>>) dst(%arg10 : memref<1024x32xf32, #tpu.memory_space<vmem>>)
    %add3A_557 = arith.constant 10240 : i32
    %add3A_558 = arith.addi %mul3A_2, %add3A_557 : i32
    %dma_start3A_559 = arith.constant 0 : i32
    %dma_start3A_560 = tpu.memref_slice %arg4[%add3A_558, %dma_start3A_559] : memref<425984x32xf32, #tpu.memory_space<hbm>> -> memref<1024x32xf32, #tpu.memory_space<hbm>>
    %dma_start3A_561 = arith.constant 0 : i32
    %dma_start3A_562 = tpu.memref_slice %arg4[%add3A_558, %dma_start3A_561] : memref<425984x32xf32, #tpu.memory_space<hbm>> -> memref<1024x32xf32, #tpu.memory_space<hbm>>
    tpu.enqueue_dma source(%arg10 : memref<1024x32xf32, #tpu.memory_space<vmem>>) target(%dma_start3A_562 : memref<1024x32xf32, #tpu.memory_space<hbm>>) target_semaphore(%arg16 : memref<!tpu.dma_semaphore, #tpu.memory_space<semaphore_mem>>)
    %dma_wait3A_563 = arith.constant 0 : i32
    %dma_wait3A_564 = tpu.memref_slice %arg4[%add3A_512, %dma_wait3A_563] : memref<425984x32xf32, #tpu.memory_space<hbm>> -> memref<1024x32xf32, #tpu.memory_space<hbm>>
    %dma_wait3A_565 = arith.constant 0 : i32
    %dma_wait3A_566 = tpu.memref_slice %arg4[%add3A_512, %dma_wait3A_565] : memref<425984x32xf32, #tpu.memory_space<hbm>> -> memref<1024x32xf32, #tpu.memory_space<hbm>>
    tpu.wait_dma2 semaphore(%arg15 : memref<!tpu.dma_semaphore, #tpu.memory_space<semaphore_mem>>) src(%arg9 : memref<1024x32xf32, #tpu.memory_space<vmem>>) dst(%dma_wait3A_566 : memref<1024x32xf32, #tpu.memory_space<hbm>>)
    %dma_start3A_567 = arith.constant 0 : i32
    %dma_start3A_568 = arith.constant 0 : i32
    %dma_start3A_569 = tpu.memref_slice %arg2[%dma_start3A_567, %dma_start3A_568] : memref<409600x32xf32, #tpu.memory_space<hbm>> -> memref<409600x32xf32, #tpu.memory_space<hbm>>
    tpu.enqueue_indirect_dma source(%dma_start3A_569 : memref<409600x32xf32, #tpu.memory_space<hbm>>) target(%arg9 : memref<1024x32xf32, #tpu.memory_space<vmem>>) offsets(%arg6 : memref<1024xi32, #tpu.memory_space<vmem>>) semaphore(%arg12 : memref<!tpu.dma_semaphore, #tpu.memory_space<semaphore_mem>>)
    %dma_wait3A_570 = arith.constant 0 : i32
    %dma_wait3A_571 = arith.constant 0 : i32
    %dma_wait3A_572 = tpu.memref_slice %arg2[%dma_wait3A_570, %dma_wait3A_571] : memref<409600x32xf32, #tpu.memory_space<hbm>> -> memref<409600x32xf32, #tpu.memory_space<hbm>>
    tpu.wait_indirect_dma semaphore(%arg14 : memref<!tpu.dma_semaphore, #tpu.memory_space<semaphore_mem>>) src(%dma_wait3A_572 : memref<409600x32xf32, #tpu.memory_space<hbm>>) dst(%arg11 : memref<1024x32xf32, #tpu.memory_space<vmem>>)
    %add3A_573 = arith.constant 11264 : i32
    %add3A_574 = arith.addi %mul3A_2, %add3A_573 : i32
    %dma_start3A_575 = arith.constant 0 : i32
    %dma_start3A_576 = tpu.memref_slice %arg4[%add3A_574, %dma_start3A_575] : memref<425984x32xf32, #tpu.memory_space<hbm>> -> memref<1024x32xf32, #tpu.memory_space<hbm>>
    %dma_start3A_577 = arith.constant 0 : i32
    %dma_start3A_578 = tpu.memref_slice %arg4[%add3A_574, %dma_start3A_577] : memref<425984x32xf32, #tpu.memory_space<hbm>> -> memref<1024x32xf32, #tpu.memory_space<hbm>>
    tpu.enqueue_dma source(%arg11 : memref<1024x32xf32, #tpu.memory_space<vmem>>) target(%dma_start3A_578 : memref<1024x32xf32, #tpu.memory_space<hbm>>) target_semaphore(%arg17 : memref<!tpu.dma_semaphore, #tpu.memory_space<semaphore_mem>>)
    %dma_wait3A_579 = arith.constant 0 : i32
    %dma_wait3A_580 = arith.constant 0 : i32
    %dma_wait3A_581 = tpu.memref_slice %arg2[%dma_wait3A_579, %dma_wait3A_580] : memref<409600x32xf32, #tpu.memory_space<hbm>> -> memref<409600x32xf32, #tpu.memory_space<hbm>>
    tpu.wait_indirect_dma semaphore(%arg12 : memref<!tpu.dma_semaphore, #tpu.memory_space<semaphore_mem>>) src(%dma_wait3A_581 : memref<409600x32xf32, #tpu.memory_space<hbm>>) dst(%arg9 : memref<1024x32xf32, #tpu.memory_space<vmem>>)
    %add3A_582 = arith.constant 12288 : i32
    %add3A_583 = arith.addi %mul3A_2, %add3A_582 : i32
    %dma_start3A_584 = arith.constant 0 : i32
    %dma_start3A_585 = tpu.memref_slice %arg4[%add3A_583, %dma_start3A_584] : memref<425984x32xf32, #tpu.memory_space<hbm>> -> memref<1024x32xf32, #tpu.memory_space<hbm>>
    %dma_start3A_586 = arith.constant 0 : i32
    %dma_start3A_587 = tpu.memref_slice %arg4[%add3A_583, %dma_start3A_586] : memref<425984x32xf32, #tpu.memory_space<hbm>> -> memref<1024x32xf32, #tpu.memory_space<hbm>>
    tpu.enqueue_dma source(%arg9 : memref<1024x32xf32, #tpu.memory_space<vmem>>) target(%dma_start3A_587 : memref<1024x32xf32, #tpu.memory_space<hbm>>) target_semaphore(%arg15 : memref<!tpu.dma_semaphore, #tpu.memory_space<semaphore_mem>>)
    %dma_wait3A_588 = arith.constant 0 : i32
    %dma_wait3A_589 = tpu.memref_slice %arg4[%add3A_558, %dma_wait3A_588] : memref<425984x32xf32, #tpu.memory_space<hbm>> -> memref<1024x32xf32, #tpu.memory_space<hbm>>
    %dma_wait3A_590 = arith.constant 0 : i32
    %dma_wait3A_591 = tpu.memref_slice %arg4[%add3A_558, %dma_wait3A_590] : memref<425984x32xf32, #tpu.memory_space<hbm>> -> memref<1024x32xf32, #tpu.memory_space<hbm>>
    tpu.wait_dma2 semaphore(%arg16 : memref<!tpu.dma_semaphore, #tpu.memory_space<semaphore_mem>>) src(%arg10 : memref<1024x32xf32, #tpu.memory_space<vmem>>) dst(%dma_wait3A_591 : memref<1024x32xf32, #tpu.memory_space<hbm>>)
    %dma_wait3A_592 = arith.constant 0 : i32
    %dma_wait3A_593 = tpu.memref_slice %arg4[%add3A_574, %dma_wait3A_592] : memref<425984x32xf32, #tpu.memory_space<hbm>> -> memref<1024x32xf32, #tpu.memory_space<hbm>>
    %dma_wait3A_594 = arith.constant 0 : i32
    %dma_wait3A_595 = tpu.memref_slice %arg4[%add3A_574, %dma_wait3A_594] : memref<425984x32xf32, #tpu.memory_space<hbm>> -> memref<1024x32xf32, #tpu.memory_space<hbm>>
    tpu.wait_dma2 semaphore(%arg17 : memref<!tpu.dma_semaphore, #tpu.memory_space<semaphore_mem>>) src(%arg11 : memref<1024x32xf32, #tpu.memory_space<vmem>>) dst(%dma_wait3A_595 : memref<1024x32xf32, #tpu.memory_space<hbm>>)
    %dma_wait3A_596 = arith.constant 0 : i32
    %dma_wait3A_597 = tpu.memref_slice %arg4[%add3A_583, %dma_wait3A_596] : memref<425984x32xf32, #tpu.memory_space<hbm>> -> memref<1024x32xf32, #tpu.memory_space<hbm>>
    %dma_wait3A_598 = arith.constant 0 : i32
    %dma_wait3A_599 = tpu.memref_slice %arg4[%add3A_583, %dma_wait3A_598] : memref<425984x32xf32, #tpu.memory_space<hbm>> -> memref<1024x32xf32, #tpu.memory_space<hbm>>
    tpu.wait_dma2 semaphore(%arg15 : memref<!tpu.dma_semaphore, #tpu.memory_space<semaphore_mem>>) src(%arg9 : memref<1024x32xf32, #tpu.memory_space<vmem>>) dst(%dma_wait3A_599 : memref<1024x32xf32, #tpu.memory_space<hbm>>)
    return
  }
}

</mosaic_0001>

<sc_bundles>
// kernel: kernel.3.cloned.1.call-start
scs
__scs_entry_jumppad:
0x0: {  	(pc) =	sbr.rel $0x88, $3  }
0x1: {  	(tag) =	ssettag $0x0;
	lr =	simm.s32 $0x1  }
0x2: {  	[smem:$0x3F9F] =	sst lr;
	_ =	strace $0xD0000000  }
0x3: {  	_ = 	snop  }
0x4: {  	_ = 	snop  }
0x5: {  	_ = 	snop  }
0x6: {  	_ = 	snop  }
0x7: {  	_ = 	snop  }
__scs_overlays_trampoline_lowered:
0x8: {  	[smem:$0x3FAE] =	sst s0  }
0x9: {  	[smem:$0x3FAF] =	sst s1  }
0xa: {  	[smem:$0x3FB0] =	sst s2  }
0xb: {  	[smem:$0x3FB1] =	sst s3  }
0xc: {  	[smem:$0x3FB2] =	sst s4  }
0xd: {  	[smem:$0x3FB3] =	sst s5  }
0xe: {  	[smem:$0x3FB4] =	sst s6  }
0xf: {  	[smem:$0x3FB5] =	sst s7  }
0x10: {  	[smem:$0x3FB6] =	sst s8  }
0x11: {  	[smem:$0x3FB7] =	sst s9;
	s0 =	simm.s32 @!p0 $0x0  }
0x12: {  	s1 =	sld [smem:$0x3F9D];
	s0 =	simm.s32 @p0 $0x1  }
0x13: {  	[smem:$0x3FB8] =	sst s0;
	s0 =	simm.s32 @!p1 $0x0  }
0x14: {  	s2 =	sld [smem:$0x3F9C];
	s0 =	simm.s32 @p1 $0x1  }
0x15: {  	[smem:$0x3FB9] =	sst s0;
	s0 =	simm.s32 @!p2 $0x0  }
0x16: {  	s3 =	sld [smem:$0x3FDB];
	s0 =	simm.s32 @p2 $0x1  }
0x17: {  	s4 =	simm.s32 $0x1BF5;
	[smem:$0x3FBB] =	sst s0  }
0x18: {  	s0 =	sld [smem:$0x3F9E];
	_ =	swait.ge [sflag:s4], $0x0  }
0x19: {  	s7 =	sld [smem:$0x3F9F]  }
0x1a: {  	s8 =	sadd.s32 $0xFFFFE003, lr  }
0x1b: {  	s9 =	sadd.s32 $0xFFFFFEF7, lr;
	s5 =	simm.s32 $0xFFFFFFFF;
	p2 =	slt.u32 s8, $0xFFFFF086  }
0x1c: {  	p1 =	slt.u32 s9, $0xF7A;
	s5 =	simm.s32 @!p2 $0x0  }
0x1d: {  	s5 =	simm.s32 @p1 $0x1;
	p0 =	seq.s32 s7, s2  }
0x1e: {  	s7 =	smul.u32 @!p0 $0xF7A, s2;
	p2 =	seq.s32 @!p0 s5, $0x0  }
0x1f: {  	s9 =	smul.u32 $0xF7A, s1;
	s8 =	simm.s32 @!p0 $0x1BF5;
	p2 =	por !p2, p0  }
0x20: {  	[sflag:s8] =	ssyncset.s32 @!p0 $0xFFFFF086;
	s6 =	sadd.s32 @!p0 s3, s7;
	s7 =	simm.s32 @!p0 $0x108  }
0x21: {  	s3 =	sadd.s32 s3, s9;
	s6 =	sadd.s32 @!p0 $0x88, s6;
	s7 =	simm.s32 @p2 $0x1082  }
0x22: {  	[simem:s7], [sflag:s8] =	dma.local @!p0 [hbm:s6], $0xF7A  }
0x23: {  	s9 =	sor.u32 $0xD0000000, s2;
	s6 =	simm.s32 $0x108;
	_ =	swait.ge @!p0 [sflag:s8], $0x0  }
0x24: {  	s3 =	sadd.s32 $0x88, s3;
	s6 =	simm.s32 @!p1 $0x1082;
	[sflag:s4] =	ssyncset.s32 $0xFFFFF086  }
0x25: {  	[simem:s6], [sflag:s4] =	dma.local [hbm:s3], $0xF7A  }
0x26: {  	[smem:$0x3F9F] =	sst s1;
	(tag) =	ssettag s2;
	_ =	strace s9  }
0x27: {  	s1 =	sld [smem:$0x3FAF]  }
0x28: {  	s2 =	sld [smem:$0x3FB0]  }
0x29: {  	s4 =	sld [smem:$0x3FB2]  }
0x2a: {  	p0 =	seq.s32 s5, $0x0;
	s5 =	sld [smem:$0x3FB3]  }
0x2b: {  	s6 =	sld [smem:$0x3FB4]  }
0x2c: {  	s7 =	sld [smem:$0x3FB5]  }
0x2d: {  	s3 =	simm.s32 $0x108;
	s8 =	sld [smem:$0x3FB6]  }
0x2e: {  	s3 =	simm.s32 @!p0 $0x1082;
	s9 =	sld [smem:$0x3FB7]  }
0x2f: {  	lr =	sadd.s32 s0, s3;
	s0 =	sld [smem:$0x3FAE]  }
0x30: {  	s3 =	sld [smem:$0x3FB1]  }
0x31: {  	[smem:$0x3FBA] =	sst s10  }
0x32: {  	s10 =	sld [smem:$0x3FB8];
	_ =	sdelay $0x3  }
0x33: {  	p0 =	seq.s32 s10, $0x1;
	s10 =	sld [smem:$0x3FBA];
	_ =	sdelay $0x3  }
0x34: {  	[smem:$0x3FBA] =	sst s10  }
0x35: {  	s10 =	sld [smem:$0x3FB9];
	_ =	sdelay $0x3  }
0x36: {  	p1 =	seq.s32 s10, $0x1;
	s10 =	sld [smem:$0x3FBA];
	_ =	sdelay $0x3  }
0x37: {  	[smem:$0x3FBA] =	sst s10  }
0x38: {  	s10 =	sld [smem:$0x3FBB]  }
0x39: {  	_ = 	snop;
	(pc) =	sbr.ind lr, $3  }
0x3a: {  	_ = 	snop  }
0x3b: {  	_ = 	snop  }
0x3c: {  	p2 =	seq.s32 s10, $0x1;
	s10 =	sld [smem:$0x3FBA]  }
0x3d: {  	_ =	shalt  }
0x3e: {  	_ =	shalt  }
0x3f: {  	_ =	shalt  }
0x40: {  	_ =	shalt  }
0x41: {  	_ =	shalt  }
0x42: {  	_ =	shalt  }
0x43: {  	_ =	shalt  }
0x44: {  	_ =	shalt  }
0x45: {  	_ =	shalt  }
0x46: {  	_ =	shalt  }
0x47: {  	_ =	shalt  }
0x48: {  	_ =	shalt  }
0x49: {  	_ =	shalt  }
0x4a: {  	_ =	shalt  }
0x4b: {  	_ =	shalt  }
0x4c: {  	_ =	shalt  }
0x4d: {  	_ =	shalt  }
0x4e: {  	_ =	shalt  }
0x4f: {  	_ =	shalt  }
0x50: {  	_ =	shalt  }
0x51: {  	_ =	shalt  }
0x52: {  	_ =	shalt  }
0x53: {  	_ =	shalt  }
0x54: {  	_ =	shalt  }
0x55: {  	_ =	shalt  }
0x56: {  	_ =	shalt  }
0x57: {  	_ =	shalt  }
0x58: {  	_ =	shalt  }
0x59: {  	_ =	shalt  }
0x5a: {  	_ =	shalt  }
0x5b: {  	_ =	shalt  }
0x5c: {  	_ =	shalt  }
0x5d: {  	_ =	shalt  }
0x5e: {  	_ =	shalt  }
0x5f: {  	_ =	shalt  }
0x60: {  	_ =	shalt  }
0x61: {  	_ =	shalt  }
0x62: {  	_ =	shalt  }
0x63: {  	_ =	shalt  }
0x64: {  	_ =	shalt  }
0x65: {  	_ =	shalt  }
0x66: {  	_ =	shalt  }
0x67: {  	_ =	shalt  }
0x68: {  	_ =	shalt  }
0x69: {  	_ =	shalt  }
0x6a: {  	_ =	shalt  }
0x6b: {  	_ =	shalt  }
0x6c: {  	_ =	shalt  }
0x6d: {  	_ =	shalt  }
0x6e: {  	_ =	shalt  }
0x6f: {  	_ =	shalt  }
0x70: {  	_ =	shalt  }
0x71: {  	_ =	shalt  }
0x72: {  	_ =	shalt  }
0x73: {  	_ =	shalt  }
0x74: {  	_ =	shalt  }
0x75: {  	_ =	shalt  }
0x76: {  	_ =	shalt  }
0x77: {  	_ =	shalt  }
0x78: {  	_ =	shalt  }
0x79: {  	_ =	shalt  }
0x7a: {  	_ =	shalt  }
0x7b: {  	_ =	shalt  }
0x7c: {  	_ =	shalt  }
0x7d: {  	_ =	shalt  }
0x7e: {  	_ =	shalt  }
0x7f: {  	_ =	shalt  }
0x80: {  	_ =	shalt  }
0x81: {  	_ =	shalt  }
0x82: {  	_ =	shalt  }
0x83: {  	_ =	shalt  }
0x84: {  	_ =	shalt  }
0x85: {  	_ =	shalt  }
0x86: {  	_ =	shalt  }
0x87: {  	_ =	shalt  }
.Lfunc_end0:
.L_simem_size_0:
called_computation_lowered:
.L_overlay_start_0:
0x88: {  	s2 =	sld [smem:$0x3FD9]  }
0x89: {  	s3 =	sld [smem:$0x3FFE];
	_ =	sdelay $0x1  }
0x8a: {  	s1 =	srdreg.scid  }
0x8b: {  	s0 =	sand.u32 $0x1, s1  }
0x8c: {  	s17 =	sshll.u32 s0, $0xA;
	s2 =	sadd.s32 s3, s2  }
0x8d: {  	s2 =	sadd.s32 s2, s17  }
0x8e: {  	[smem:$0x3FC6] =	sst s2  }
0x8f: {  	_ = 	snop  }
0x90: {  	s2 =	sld [smem:$0x3FD0];
	(tm) =	ssettm $0x1  }
0x91: {  	s18 =	sld [smem:$0x3FFB];
	_ =	sdelay $0x3  }
0x92: {  	_ =	strace s18  }
0x93: {  	s3 =	sld [smem:$0x3FFC];
	_ =	sdelay $0x3  }
0x94: {  	_ =	strace s3  }
0x95: {  	s3 =	sld [smem:$0x3FFD];
	_ =	sdelay $0x3  }
0x96: {  	_ =	strace s3  }
0x97: {  	_ =	strace $0x8FFFFFFF  }
0x98: {  	s19 =	sld [smem:$0x3FDB];
	_ =	sdelay $0x1  }
0x99: {  	s4 =	simm.s32 $_scs_section_size  }
0x9a: {  	s5 =	simm.s32 $_size__tile_overlayer_lowered;
	s6 =	simm.s32 $_tile_overlayer_lowered  }
0x9b: {  	s22 =	simm.s32 $0x1BFF;
	s21 =	sshll.u32 s6, $0x1;
	s3 =	sadd.s32 s4, s19  }
0x9c: {  	s7 =	simm.s32 $0x0;
	s20 =	sshll.u32 s5, $0x1;
	s5 =	sadd.s32 s21, s3  }
0x9d: {  	[timem:s7], [sflag:s22] =	dma.local [hbm:s5], s20  }
0x9e: {  	_ =	swait.ge [sflag:s22], s20  }
0x9f: {  	s4 =	ssub.s32 $0x0, s20;
	[sflag:s22] =	ssyncset.done $0x0  }
0xa0: {  	[sflag:s22] =	ssyncadd.s32 s4;
	_ =	sdelay $0x1  }
0xa1: {  	s23 =	simm.s32 $0x1B8B  }
0xa2: {  	_ =	swait.ge [sflag:s23], $0x1  }
0xa3: {  	[sflag:s23] =	ssyncset.done $0x0  }
0xa4: {  	s25 =	simm.s32 $0x1B8E;
	s24 =	sld [smem:$0x3FFE];
	[sflag:s23] =	ssyncadd.s32 $0xFFFFFFFF  }
0xa5: {  	s26 =	simm.s32 $execute0_lowered;
	[smem:$0x3FD2] =	sst s25  }
0xa6: {  	s5 =	sshll.u32 s26, $0x1;
	_ =	strace $0x80000046;
	[dreg:$0x1] =	wrdreg $0xFFFFFFFF  }
0xa7: {  	s28 =	simm.s32 $_size_execute0_lowered;
	s3 =	sadd.s32 s3, s5;
	[dreg:$0x0] =	wrdreg $0x0  }
0xa8: {  	s5 =	sshll.u32 s28, $0x1;
	[dreg:$0x2] =	wrdreg s3  }
0xa9: {  	[dreg:$0x3] =	wrdreg s5  }
0xaa: {  	[dreg:$0x4] =	wrdreg $0xC0  }
0xab: {  	_ =	task [dreg:s7], $0x5FFFF  }
0xac: {  	[dreg:$0x1] =	wrdreg $0xFFFFFFFF  }
0xad: {  	[dreg:$0x0] =	wrdreg $0x60  }
0xae: {  	[dreg:$0x2] =	wrdreg s24  }
0xaf: {  	[dreg:$0x3] =	wrdreg s2  }
0xb0: {  	[dreg:$0x4] =	wrdreg $0x9  }
0xb1: {  	_ =	task.clear_ibuf [dreg:s7], $0x5FFFF;
	_ =	strace $0x90000046  }
0xb2: {  	s29 =	simm.s32 $0x9;
	_ =	strace $0x80000048  }
0xb3: {  	_ =	swait.ge [sflag:s29], $0x1  }
0xb4: {  	[sflag:s29] =	ssyncadd.s32 $0xFFFFFFFF  }
0xb5: {  	_ =	strace $0x90000048  }
0xb6: {  	_ =	sfence  }
0xb7: {  	s30 =	sld [smem:$0x0];
	_ =	sdelay $0x2  }
0xb8: {  	s31 =	sshll.u32 s1, $0xD;
	s1 =	sshrl.u32 s1, $0x2  }
0xb9: {  	s3 =	sand.u32 $0x4000, s31;
	s1 =	sadd.s32 s1, s30  }
0xba: {  	s0 =	sor.u32 s3, s0;
	s1 =	sshll.u32 s1, $0x11  }
0xbb: {  	s0 =	sor.u32 s1, s0  }
0xbc: {  	s0 =	sadd.s32 $0x8F2B, s0  }
0xbd: {  	[sflag:s0] =	ssyncadd.remote.s32 $0x1  }
0xbe: {  	_ =	sfence.sel $0xFFFF  }
0xbf: {  	[dreg:$0x0] =	wrdreg $0xFFFFFFFF;
	(pc) =	sbr.abs _section_cstart, $3  }
0xc0: {  	[dreg:$0x1] =	wrdreg $0xFFFFFFFF  }
0xc1: {  	_ =	task.clear_ibuf [dreg:s7], $0x2FFFF;
	_ =	strace $0x9FFFFFFF  }
0xc2: {  	(tm) =	ssettm $0x7FFFFFFF  }
0xc3: {  	_ =	shalt  }
tec
execute0_lowered:
.L_overlay_start_1:
0x0: {  	(tag) =	ssettag $0x1  }
0x1: {  	s0 =	srdreg.scid;
	s1 =	stileid.u32  }
0x2: {  	s3 =	sand.u32 $0x1, s0;
	s12 =	sshll.u32 s1, $0x1  }
0x3: {  	s4 =	sor.u32 s3, s12  }
0x4: {  	s0 =	smul.u32 $0x3400, s4;
	_ =	sdelay $0x1  }
0x5: {  	s13 =	sshrl.u32 s0, $0xB;
	s2 =	sshrl.u32 s0, $0x2;
	s6 =	sadd.s32 $0x400, s0  }
0x6: {  	s7 =	sadd.s32 $0x800, s0;
	s8 =	sadd.s32 $0xC00, s0;
	s21 =	sadd.s32 $0x1000, s0  }
0x7: {  	v1 =	vimm.s32 $0x0;
	vm0 =	vcmask $0x300;
	v2 =	vlaneseq.u32;
	s1 =	sand.u32 $0xF8, s13;
	s2 =	sand.u32 $0xF00, s2;
	s14 =	sshrl.u32 s6, $0x2  }
0x8: {  	v18 =	vsel vm0, $0x3, v1;
	v3 =	vand.u32 $0x3, v2;
	s15 =	sshrl.u32 s6, $0xB;
	s16 =	sshrl.u32 s7, $0xB;
	s9 =	sshrl.u32 s7, $0x2  }
0x9: {  	v2 =	vshrl.u32 v2, $0x2;
	v24 =	vmul.u32 $0x2, v3;
	s18 =	sshrl.u32 s8, $0xB;
	s10 =	sshrl.u32 s8, $0x2;
	s12 =	sshrl.u32 s21, $0xB;
	v0 =	vmov s1  }
0xa: {  	v25 =	vmul.u32 $0x64, v2;
	s13 =	sshrl.u32 s21, $0x2;
	v1 =	vmov s2;
	s1 =	sand.u32 $0xF00, s14;
	s2 =	sand.u32 $0x1F8, s15;
	v0 =	vshrl.u32 v0, $0x3  }
0xb: {  	s17 =	sand.u32 $0x1F8, s16;
	s9 =	sand.u32 $0xF00, s9;
	s11 =	sand.u32 $0x1F8, s18;
	v1 =	vmul.u32 $0x64, v1;
	v2 =	vmov s2;
	v3 =	vmov s1  }
0xc: {  	s19 =	sand.u32 $0xF00, s10;
	s12 =	sand.u32 $0x1F8, s12;
	s13 =	sand.u32 $0xF00, s13;
	v4 =	vmov s17;
	v5 =	vmov s9;
	v6 =	vmov s11  }
0xd: {  	s20 =	ssub.s32 $0x2, s3;
	v7 =	vmov s19;
	v8 =	vmov s12;
	v9 =	vmov s13  }
0xe: {  	s5 =	rddreg [dreg:$0x0];
	s25 =	sshrl.u32 s20, $0x1;
	s6 =	sshll.u32 s6, $0x2;
	v0 =	vshll.u32 v0, v18;
	v2 =	vshrl.u32 v2, $0x3;
	v3 =	vmul.u32 $0x64, v3  }
0xf: {  	s24 =	sshll.u32 s7, $0x2;
	s14 =	sadd.s32 $0x1400, s0;
	s16 =	smul.u32 $0xD000, s4;
	v4 =	vshrl.u32 v4, $0x3;
	v5 =	vmul.u32 $0x64, v5;
	v6 =	vshrl.u32 v6, $0x3  }
0x10: {  	s4 =	ssub.s32 s20, s25;
	s25 =	sshll.u32 s8, $0x2;
	s15 =	sshrl.u32 s14, $0xB;
	v7 =	vmul.u32 $0x64, v7;
	v8 =	vshrl.u32 v8, $0x3;
	v9 =	vmul.u32 $0x64, v9  }
0x11: {  	s1 =	rddreg [dreg:$0x1];
	s26 =	sshrl.u32 s14, $0x2;
	s17 =	sand.u32 $0x1F8, s15;
	v0 =	vbroadcast v0, $0x0;
	v1 =	vbroadcast v1, $0x0;
	v2 =	vshll.u32 v2, v18  }
0x12: {  	s2 =	simm.s32 $0x0;
	s19 =	sadd.s32 $0x1800, s0;
	s12 =	sand.u32 $0xF00, s26;
	v4 =	vshll.u32 v4, v18;
	v6 =	vshll.u32 v6, v18;
	v10 =	vmov s17  }
0x13: {  	s20 =	sshll.u32 s14, $0x2;
	s14 =	sadd.s32 $0x2400, s0;
	[smem:$0x7FF] =	sst s2;
	v11 =	vmov s12;
	v2 =	vbroadcast v2, $0x0;
	v3 =	vbroadcast v3, $0x0  }
0x14: {  	s23 =	sshrl.u32 s19, $0xB;
	s6 =	sadd.s32 s1, s6;
	s26 =	sadd.s32 $0x1C00, s0;
	v8 =	vshll.u32 v8, v18;
	v4 =	vbroadcast v4, $0x0;
	v5 =	vbroadcast v5, $0x0  }
0x15: {  	s8 =	sadd.s32 s1, s25;
	s11 =	sshrl.u32 s19, $0x2;
	_ =	strace $0x80000047;
	v6 =	vbroadcast v6, $0x0;
	v7 =	vbroadcast v7, $0x0;
	v10 =	vshrl.u32 v10, $0x3  }
0x16: {  	[dreg:$0x5] =	wrdreg s6;
	s10 =	sand.u32 $0x1F8, s23;
	s6 =	sand.u32 $0xF00, s11;
	v11 =	vmul.u32 $0x64, v11;
	v8 =	vbroadcast v8, $0x0;
	v9 =	vbroadcast v9, $0x0  }
0x17: {  	s25 =	sshrl.u32 s14, $0xB;
	s13 =	sshrl.u32 s26, $0xB;
	s15 =	sshrl.u32 s26, $0x2;
	v12 =	vmov s10;
	v13 =	vmov s6;
	v0 =	vor.u32 v24, v0  }
0x18: {  	s23 =	sshrl.u32 s14, $0x2;
	s10 =	sand.u32 $0x1F8, s13;
	s11 =	sand.u32 $0xF00, s15;
	v1 =	vor.u32 v25, v1;
	v10 =	vshll.u32 v10, v18;
	v12 =	vshrl.u32 v12, $0x3  }
0x19: {  	s7 =	sadd.s32 s1, s24;
	s24 =	sand.u32 $0xF00, s23;
	s6 =	sand.u32 $0x1F8, s25;
	v14 =	vmov s10;
	v13 =	vmul.u32 $0x64, v13;
	v15 =	vmov s11  }
0x1a: {  	s18 =	sadd.s32 $0x400, s5;
	v19 =	vmov s6;
	v20 =	vmov s24;
	v2 =	vor.u32 v24, v2  }
0x1b: {  	s22 =	sadd.s32 s1, s16;
	s16 =	sshll.u32 s21, $0x2;
	[dreg:$0x3] =	wrdreg s18;
	v3 =	vor.u32 v25, v3;
	v4 =	vor.u32 v24, v4;
	v5 =	vor.u32 v25, v5  }
0x1c: {  	[dreg:$0x4] =	wrdreg s22;
	s17 =	sadd.s32 $0x2000, s0;
	s12 =	sshll.u32 s26, $0x2;
	v6 =	vor.u32 v24, v6;
	v7 =	vor.u32 v25, v7;
	v10 =	vbroadcast v10, $0x0  }
0x1d: {  	s26 =	sadd.s32 $0x2800, s0;
	s21 =	sshrl.u32 s17, $0xB;
	s22 =	sshrl.u32 s17, $0x2;
	v11 =	vbroadcast v11, $0x0;
	v8 =	vor.u32 v24, v8;
	v9 =	vor.u32 v25, v9  }
0x1e: {  	s18 =	sshrl.u32 s26, $0x2;
	s10 =	sand.u32 $0x1F8, s21;
	s11 =	sand.u32 $0xF00, s22;
	v12 =	vshll.u32 v12, v18;
	v14 =	vshrl.u32 v14, $0x3;
	v15 =	vmul.u32 $0x64, v15  }
0x1f: {  	s3 =	sadd.s32 $0x600, s5;
	s5 =	sshll.u32 s19, $0x2;
	s19 =	sand.u32 $0xF00, s18;
	v16 =	vmov s10;
	v17 =	vmov s11;
	v19 =	vshrl.u32 v19, $0x3  }
0x20: {  	v20 =	vmul.u32 $0x64, v20;
	v22 =	vmov s19;
	v12 =	vbroadcast v12, $0x0  }
0x21: {  	s13 =	sshll.u32 s17, $0x2;
	v14 =	vshll.u32 v14, v18;
	v13 =	vbroadcast v13, $0x0;
	v16 =	vshrl.u32 v16, $0x3  }
0x22: {  	s21 =	sadd.s32 $0x2C00, s0;
	s10 =	sadd.s32 s1, s20;
	s20 =	sshrl.u32 s26, $0xB;
	v17 =	vmul.u32 $0x64, v17;
	v19 =	vshll.u32 v19, v18;
	v22 =	vmul.u32 $0x64, v22  }
0x23: {  	s0 =	sadd.s32 $0x3000, s0;
	s17 =	sshrl.u32 s21, $0xB;
	s6 =	sand.u32 $0x1F8, s20;
	v10 =	vor.u32 v24, v10;
	v11 =	vor.u32 v25, v11;
	v14 =	vbroadcast v14, $0x0  }
0x24: {  	s18 =	sshrl.u32 s0, $0xB;
	s17 =	sand.u32 $0x1F8, s17;
	v15 =	vbroadcast v15, $0x0;
	v16 =	vshll.u32 v16, v18;
	v21 =	vmov s6  }
0x25: {  	s18 =	sand.u32 $0x1F8, s18;
	v19 =	vbroadcast v19, $0x0;
	v20 =	vbroadcast v20, $0x0;
	v23 =	vmov s17  }
0x26: {  	s28 =	simm.s32 $0x10CD0;
	s22 =	sshrl.u32 s21, $0x2;
	v26 =	vmov s18;
	v12 =	vor.u32 v24, v12;
	v13 =	vor.u32 v25, v13  }
0x27: {  	s29 =	simm.s32 $0x2;
	s30 =	simm.s32 $0x4;
	s6 =	sand.u32 $0xF00, s22;
	v16 =	vbroadcast v16, $0x0;
	v17 =	vbroadcast v17, $0x0;
	v21 =	vshrl.u32 v21, $0x3  }
0x28: {  	s31 =	simm.s32 $0x3;
	s9 =	sadd.s32 s1, s16;
	s12 =	sadd.s32 s1, s12;
	v23 =	vshrl.u32 v23, $0x3;
	v27 =	vmov s6;
	v26 =	vshrl.u32 v26, $0x3  }
0x29: {  	s23 =	sshll.u32 s14, $0x2;
	s15 =	sshll.u32 s26, $0x2;
	s24 =	sshrl.u32 s0, $0x2;
	v22 =	vbroadcast v22, $0x0;
	v14 =	vor.u32 v24, v14;
	v15 =	vor.u32 v25, v15  }
0x2a: {  	s13 =	sadd.s32 s1, s13;
	s14 =	sadd.s32 s1, s23;
	s25 =	sand.u32 $0xF00, s24;
	v21 =	vshll.u32 v21, v18;
	v23 =	vshll.u32 v23, v18;
	v27 =	vmul.u32 $0x64, v27  }
0x2b: {  	s15 =	sadd.s32 s1, s15;
	s23 =	simm.s32 $0x4D0;
	s11 =	sadd.s32 s1, s5;
	v26 =	vshll.u32 v26, v18;
	v18 =	vmov s25;
	v16 =	vor.u32 v24, v16  }
0x2c: {  	s26 =	sshll.u32 s21, $0x2;
	s0 =	sshll.u32 s0, $0x2;
	s19 =	simm.s32 $0x7;
	v17 =	vor.u32 v25, v17;
	v21 =	vbroadcast v21, $0x0;
	v28 =	vmul.u32 $0x64, v18  }
0x2d: {  	s21 =	simm.s32 $0xD0;
	s16 =	sadd.s32 s1, s26;
	s20 =	simm.s32 $0x400;
	v18 =	vor.u32 v24, v19;
	v23 =	vbroadcast v23, $0x0;
	v26 =	vbroadcast v26, $0x0  }
0x2e: {  	s24 =	simm.s32 $0x8CD0;
	s26 =	simm.s32 $0x8D0;
	s17 =	sadd.s32 s1, s0;
	v19 =	vor.u32 v25, v20;
	v27 =	vbroadcast v27, $0x0;
	v28 =	vbroadcast v28, $0x0  }
0x2f: {  	s18 =	smax.u32 s4, $0x1;
	s22 =	simm.s32 $0xCD0;
	s1 =	simm.s32 $0x5;
	v20 =	vor.u32 v24, v21;
	v21 =	vor.u32 v25, v22;
	v22 =	vor.u32 v24, v23  }
0x30: {  	s0 =	simm.s32 $0x6;
	s4 =	simm.s32 $0x0;
	s25 =	simm.s32 $0x1;
	v24 =	vor.u32 v24, v26;
	v23 =	vor.u32 v25, v27;
	v25 =	vor.u32 v25, v28  }
.LBB2_1:
0x31: {  	s5 =	rddreg [dreg:$0x3]  }
0x32: {  	[tilespmem:s2], [sflag:$0x7] =	stream.linear.gather [hbm4b:s5+s2], $0xD0, $0x38;
	[tilespmem:$0x18CD0] =	vst v63  }
0x33: {  	_ =	swait.ge [sflag:s19], $0xD0  }
0x34: {  	[sflag:s19] =	ssyncset.done $0x0  }
0x35: {  	[sflag:s19] =	ssyncadd.s32 $0xFFFFFF30  }
0x36: {  	v26 =	vld.idx.msk [tilespmem:v0+s2+$0x0], $0xffff;
	_ =	sdelay $0x4  }
0x37: {  	v27 =	vshra.s32 v26, $0x1F  }
0x38: {  	v27 =	vshrl.u32 v27, $0x1B  }
0x39: {  	v26 =	vadd.s32 v27, v26  }
0x3a: {  	v26 =	vshra.s32 v26, $0x5  }
0x3b: {  	v26 =	vadd.s32 v26, v1  }
0x3c: {  	v27 =	vadd.s32 s2, v26  }
0x3d: {  	s6 =	simm.s32 $0xD0;
	s5 =	simm.s32 $0x190;
	[tilespmem:s21+$0x0] =	vst v27  }
.LBB2_2:
0x3e: {  	p0 =	sne.s32 s5, $0x6270  }
.Ltmp0:
0x3f: {  	_ = 	snop;
	(pc) =	sbr.rel @p0 .LBB2_2-.Ltmp0, $3  }
0x40: {  	_ =	sdelay $0x1  }
0x41: {  	v27 =	vadd.s32 s5, v26;
	s5 =	sadd.s32 $0x190, s5;
	s6 =	sadd.s32 $0x10, s6  }
0x42: {  	[tilespmem:s6+$0x0] =	vst v27  }
0x43: {  	_ =	sdelay $0x1  }
0x44: {  	[bflag:$0x0] =	sbarrier.arrive $0xFFFF;
	s6 =	simm.s32 $0x0  }
0x45: {  	[tilespmem:s22], [sflag:$0x1] =	stream.indirect.gather [hbm4b:s3+s20], $0x20, s21, s20, $0xb8;
	[tilespmem:$0x18CD0] =	vst v63  }
0x46: {  	v26 =	vld.idx.msk [tilespmem:v2+s6+$0x0], $0xffff;
	_ =	sdelay $0x4  }
0x47: {  	v27 =	vshra.s32 v26, $0x1F  }
0x48: {  	v27 =	vshrl.u32 v27, $0x1B  }
0x49: {  	v26 =	vadd.s32 v27, v26  }
0x4a: {  	v26 =	vshra.s32 v26, $0x5  }
0x4b: {  	v26 =	vadd.s32 v26, v3  }
0x4c: {  	s5 =	simm.s32 $0x4D0;
	v27 =	vadd.s32 s6, v26  }
0x4d: {  	s6 =	simm.s32 $0x190;
	[tilespmem:s5+$0x0] =	vst v27  }
.LBB2_4:
0x4e: {  	p0 =	sne.s32 s6, $0x6270  }
.Ltmp1:
0x4f: {  	_ = 	snop;
	(pc) =	sbr.rel @p0 .LBB2_4-.Ltmp1, $3  }
0x50: {  	_ =	sdelay $0x1  }
0x51: {  	v27 =	vadd.s32 s6, v26;
	s6 =	sadd.s32 $0x190, s6;
	s5 =	sadd.s32 $0x10, s5  }
0x52: {  	[tilespmem:s5+$0x0] =	vst v27  }
0x53: {  	_ =	sdelay $0x1  }
0x54: {  	[tilespmem:s24], [sflag:$0x2] =	stream.indirect.gather [hbm4b:s3+s20], $0x20, s23, s20, $0xb8;
	[tilespmem:$0x18CD0] =	vst v63  }
0x55: {  	s6 =	simm.s32 $0x0  }
0x56: {  	v26 =	vld.idx.msk [tilespmem:v4+s6+$0x0], $0xffff;
	_ =	sdelay $0x4  }
0x57: {  	v27 =	vshra.s32 v26, $0x1F  }
0x58: {  	v27 =	vshrl.u32 v27, $0x1B  }
0x59: {  	v26 =	vadd.s32 v27, v26  }
0x5a: {  	v26 =	vshra.s32 v26, $0x5  }
0x5b: {  	v26 =	vadd.s32 v26, v5  }
0x5c: {  	s5 =	simm.s32 $0x8D0;
	v27 =	vadd.s32 s6, v26  }
0x5d: {  	s6 =	simm.s32 $0x190;
	[tilespmem:s5+$0x0] =	vst v27  }
.LBB2_6:
0x5e: {  	p0 =	sne.s32 s6, $0x6270  }
.Ltmp2:
0x5f: {  	_ = 	snop;
	(pc) =	sbr.rel @p0 .LBB2_6-.Ltmp2, $3  }
0x60: {  	_ =	sdelay $0x1  }
0x61: {  	v27 =	vadd.s32 s6, v26;
	s6 =	sadd.s32 $0x190, s6;
	s5 =	sadd.s32 $0x10, s5  }
0x62: {  	[tilespmem:s5+$0x0] =	vst v27  }
0x63: {  	_ =	swait.ge [sflag:s25], $0x8000  }
0x64: {  	[sflag:s25] =	ssyncset.done $0x0  }
0x65: {  	s6 =	simm.s32 $0x0;
	s5 =	rddreg [dreg:$0x4];
	[sflag:s25] =	ssyncadd.s32 $0xFFFF8000  }
0x66: {  	[hbm4b:s5+s6] =	stream.linear.scatter [tilespmem:s22], [sflag:$0x4], $0x8000, $0x38;
	[tilespmem:$0x18CD0] =	vst v63  }
0x67: {  	_ = 	snop  }
0x68: {  	[tilespmem:s28], [sflag:$0x3] =	stream.indirect.gather [hbm4b:s3+s20], $0x20, s26, s20, $0xb8;
	[tilespmem:$0x18CD0] =	vst v63  }
0x69: {  	v26 =	vld.idx.msk [tilespmem:v6+s6+$0x0], $0xffff;
	_ =	sdelay $0x4  }
0x6a: {  	v27 =	vshra.s32 v26, $0x1F  }
0x6b: {  	v27 =	vshrl.u32 v27, $0x1B  }
0x6c: {  	v26 =	vadd.s32 v27, v26  }
0x6d: {  	v26 =	vshra.s32 v26, $0x5  }
0x6e: {  	v26 =	vadd.s32 v26, v7  }
0x6f: {  	s5 =	simm.s32 $0xD0;
	v27 =	vadd.s32 s6, v26  }
0x70: {  	s6 =	simm.s32 $0x190;
	[tilespmem:s5+$0x0] =	vst v27  }
.LBB2_8:
0x71: {  	p0 =	sne.s32 s6, $0x6270  }
.Ltmp3:
0x72: {  	_ = 	snop;
	(pc) =	sbr.rel @p0 .LBB2_8-.Ltmp3, $3  }
0x73: {  	_ =	sdelay $0x1  }
0x74: {  	v27 =	vadd.s32 s6, v26;
	s6 =	sadd.s32 $0x190, s6;
	s5 =	sadd.s32 $0x10, s5  }
0x75: {  	[tilespmem:s5+$0x0] =	vst v27  }
0x76: {  	_ =	swait.ge [sflag:s29], $0x8000  }
0x77: {  	[sflag:s29] =	ssyncset.done $0x0  }
0x78: {  	s6 =	simm.s32 $0x0;
	s5 =	rddreg [dreg:$0x5];
	[sflag:s29] =	ssyncadd.s32 $0xFFFF8000  }
0x79: {  	[hbm4b:s5+s6] =	stream.linear.scatter [tilespmem:s24], [sflag:$0x5], $0x8000, $0x38;
	[tilespmem:$0x18CD0] =	vst v63  }
0x7a: {  	_ =	swait.ge [sflag:s30], $0x8000  }
0x7b: {  	[sflag:s30] =	ssyncset.done $0x0  }
0x7c: {  	[sflag:s30] =	ssyncadd.s32 $0xFFFF8000  }
0x7d: {  	[tilespmem:s22], [sflag:$0x1] =	stream.indirect.gather [hbm4b:s3+s20], $0x20, s21, s20, $0xb8;
	[tilespmem:$0x18CD0] =	vst v63  }
0x7e: {  	v26 =	vld.idx.msk [tilespmem:v8+s6+$0x0], $0xffff;
	_ =	sdelay $0x4  }
0x7f: {  	v27 =	vshra.s32 v26, $0x1F  }
0x80: {  	v27 =	vshrl.u32 v27, $0x1B  }
0x81: {  	v26 =	vadd.s32 v27, v26  }
0x82: {  	v26 =	vshra.s32 v26, $0x5  }
0x83: {  	v26 =	vadd.s32 v26, v9  }
0x84: {  	s5 =	simm.s32 $0x4D0;
	v27 =	vadd.s32 s6, v26  }
0x85: {  	s6 =	simm.s32 $0x190;
	[tilespmem:s5+$0x0] =	vst v27  }
.LBB2_10:
0x86: {  	p0 =	sne.s32 s6, $0x6270  }
.Ltmp4:
0x87: {  	_ = 	snop;
	(pc) =	sbr.rel @p0 .LBB2_10-.Ltmp4, $3  }
0x88: {  	_ =	sdelay $0x1  }
0x89: {  	v27 =	vadd.s32 s6, v26;
	s6 =	sadd.s32 $0x190, s6;
	s5 =	sadd.s32 $0x10, s5  }
0x8a: {  	[tilespmem:s5+$0x0] =	vst v27  }
0x8b: {  	_ =	swait.ge [sflag:s31], $0x8000  }
0x8c: {  	[sflag:s31] =	ssyncset.done $0x0  }
0x8d: {  	s6 =	simm.s32 $0x0;
	[sflag:s31] =	ssyncadd.s32 $0xFFFF8000  }
0x8e: {  	[hbm4b:s7+s6] =	stream.linear.scatter [tilespmem:s28], [sflag:$0x6], $0x8000, $0x38;
	[tilespmem:$0x18CD0] =	vst v63  }
0x8f: {  	_ =	swait.ge [sflag:s1], $0x8000  }
0x90: {  	[sflag:s1] =	ssyncset.done $0x0  }
0x91: {  	[sflag:s1] =	ssyncadd.s32 $0xFFFF8000  }
0x92: {  	[tilespmem:s24], [sflag:$0x2] =	stream.indirect.gather [hbm4b:s3+s20], $0x20, s23, s20, $0xb8;
	[tilespmem:$0x18CD0] =	vst v63  }
0x93: {  	v26 =	vld.idx.msk [tilespmem:v10+s6+$0x0], $0xffff;
	_ =	sdelay $0x4  }
0x94: {  	v27 =	vshra.s32 v26, $0x1F  }
0x95: {  	v27 =	vshrl.u32 v27, $0x1B  }
0x96: {  	v26 =	vadd.s32 v27, v26  }
0x97: {  	v26 =	vshra.s32 v26, $0x5  }
0x98: {  	v26 =	vadd.s32 v26, v11  }
0x99: {  	s5 =	simm.s32 $0x8D0;
	v27 =	vadd.s32 s6, v26  }
0x9a: {  	s6 =	simm.s32 $0x190;
	[tilespmem:s5+$0x0] =	vst v27  }
.LBB2_12:
0x9b: {  	p0 =	sne.s32 s6, $0x6270  }
.Ltmp5:
0x9c: {  	_ = 	snop;
	(pc) =	sbr.rel @p0 .LBB2_12-.Ltmp5, $3  }
0x9d: {  	_ =	sdelay $0x1  }
0x9e: {  	v27 =	vadd.s32 s6, v26;
	s6 =	sadd.s32 $0x190, s6;
	s5 =	sadd.s32 $0x10, s5  }
0x9f: {  	[tilespmem:s5+$0x0] =	vst v27  }
0xa0: {  	_ =	swait.ge [sflag:s25], $0x8000  }
0xa1: {  	[sflag:s25] =	ssyncset.done $0x0  }
0xa2: {  	s6 =	simm.s32 $0x0;
	[sflag:s25] =	ssyncadd.s32 $0xFFFF8000  }
0xa3: {  	[hbm4b:s8+s6] =	stream.linear.scatter [tilespmem:s22], [sflag:$0x4], $0x8000, $0x38;
	[tilespmem:$0x18CD0] =	vst v63  }
0xa4: {  	_ =	swait.ge [sflag:s0], $0x8000  }
0xa5: {  	[sflag:s0] =	ssyncset.done $0x0  }
0xa6: {  	[sflag:s0] =	ssyncadd.s32 $0xFFFF8000  }
0xa7: {  	[tilespmem:s28], [sflag:$0x3] =	stream.indirect.gather [hbm4b:s3+s20], $0x20, s26, s20, $0xb8;
	[tilespmem:$0x18CD0] =	vst v63  }
0xa8: {  	v26 =	vld.idx.msk [tilespmem:v12+s6+$0x0], $0xffff;
	_ =	sdelay $0x4  }
0xa9: {  	v27 =	vshra.s32 v26, $0x1F  }
0xaa: {  	v27 =	vshrl.u32 v27, $0x1B  }
0xab: {  	v26 =	vadd.s32 v27, v26  }
0xac: {  	v26 =	vshra.s32 v26, $0x5  }
0xad: {  	v26 =	vadd.s32 v26, v13  }
0xae: {  	s5 =	simm.s32 $0xD0;
	v27 =	vadd.s32 s6, v26  }
0xaf: {  	s6 =	simm.s32 $0x190;
	[tilespmem:s5+$0x0] =	vst v27  }
.LBB2_14:
0xb0: {  	p0 =	sne.s32 s6, $0x6270  }
.Ltmp6:
0xb1: {  	_ = 	snop;
	(pc) =	sbr.rel @p0 .LBB2_14-.Ltmp6, $3  }
0xb2: {  	_ =	sdelay $0x1  }
0xb3: {  	v27 =	vadd.s32 s6, v26;
	s6 =	sadd.s32 $0x190, s6;
	s5 =	sadd.s32 $0x10, s5  }
0xb4: {  	[tilespmem:s5+$0x0] =	vst v27  }
0xb5: {  	_ =	swait.ge [sflag:s29], $0x8000  }
0xb6: {  	[sflag:s29] =	ssyncset.done $0x0  }
0xb7: {  	s6 =	simm.s32 $0x0;
	[sflag:s29] =	ssyncadd.s32 $0xFFFF8000  }
0xb8: {  	[hbm4b:s9+s6] =	stream.linear.scatter [tilespmem:s24], [sflag:$0x5], $0x8000, $0x38;
	[tilespmem:$0x18CD0] =	vst v63  }
0xb9: {  	_ =	swait.ge [sflag:s30], $0x8000  }
0xba: {  	[sflag:s30] =	ssyncset.done $0x0  }
0xbb: {  	[sflag:s30] =	ssyncadd.s32 $0xFFFF8000  }
0xbc: {  	[tilespmem:s22], [sflag:$0x1] =	stream.indirect.gather [hbm4b:s3+s20], $0x20, s21, s20, $0xb8;
	[tilespmem:$0x18CD0] =	vst v63  }
0xbd: {  	v26 =	vld.idx.msk [tilespmem:v14+s6+$0x0], $0xffff;
	_ =	sdelay $0x4  }
0xbe: {  	v27 =	vshra.s32 v26, $0x1F  }
0xbf: {  	v27 =	vshrl.u32 v27, $0x1B  }
0xc0: {  	v26 =	vadd.s32 v27, v26  }
0xc1: {  	v26 =	vshra.s32 v26, $0x5  }
0xc2: {  	v26 =	vadd.s32 v26, v15  }
0xc3: {  	s5 =	simm.s32 $0x4D0;
	v27 =	vadd.s32 s6, v26  }
0xc4: {  	s6 =	simm.s32 $0x190;
	[tilespmem:s5+$0x0] =	vst v27  }
.LBB2_16:
0xc5: {  	p0 =	sne.s32 s6, $0x6270  }
.Ltmp7:
0xc6: {  	_ = 	snop;
	(pc) =	sbr.rel @p0 .LBB2_16-.Ltmp7, $3  }
0xc7: {  	_ =	sdelay $0x1  }
0xc8: {  	v27 =	vadd.s32 s6, v26;
	s6 =	sadd.s32 $0x190, s6;
	s5 =	sadd.s32 $0x10, s5  }
0xc9: {  	[tilespmem:s5+$0x0] =	vst v27  }
0xca: {  	_ =	swait.ge [sflag:s31], $0x8000  }
0xcb: {  	[sflag:s31] =	ssyncset.done $0x0  }
0xcc: {  	s6 =	simm.s32 $0x0;
	[sflag:s31] =	ssyncadd.s32 $0xFFFF8000  }
0xcd: {  	[hbm4b:s10+s6] =	stream.linear.scatter [tilespmem:s28], [sflag:$0x6], $0x8000, $0x38;
	[tilespmem:$0x18CD0] =	vst v63  }
0xce: {  	_ =	swait.ge [sflag:s1], $0x8000  }
0xcf: {  	[sflag:s1] =	ssyncset.done $0x0  }
0xd0: {  	[sflag:s1] =	ssyncadd.s32 $0xFFFF8000  }
0xd1: {  	[tilespmem:s24], [sflag:$0x2] =	stream.indirect.gather [hbm4b:s3+s20], $0x20, s23, s20, $0xb8;
	[tilespmem:$0x18CD0] =	vst v63  }
0xd2: {  	v26 =	vld.idx.msk [tilespmem:v16+s6+$0x0], $0xffff;
	_ =	sdelay $0x4  }
0xd3: {  	v27 =	vshra.s32 v26, $0x1F  }
0xd4: {  	v27 =	vshrl.u32 v27, $0x1B  }
0xd5: {  	v26 =	vadd.s32 v27, v26  }
0xd6: {  	v26 =	vshra.s32 v26, $0x5  }
0xd7: {  	v26 =	vadd.s32 v26, v17  }
0xd8: {  	s5 =	simm.s32 $0x8D0;
	v27 =	vadd.s32 s6, v26  }
0xd9: {  	s6 =	simm.s32 $0x190;
	[tilespmem:s5+$0x0] =	vst v27  }
.LBB2_18:
0xda: {  	p0 =	sne.s32 s6, $0x6270  }
.Ltmp8:
0xdb: {  	_ = 	snop;
	(pc) =	sbr.rel @p0 .LBB2_18-.Ltmp8, $3  }
0xdc: {  	_ =	sdelay $0x1  }
0xdd: {  	v27 =	vadd.s32 s6, v26;
	s6 =	sadd.s32 $0x190, s6;
	s5 =	sadd.s32 $0x10, s5  }
0xde: {  	[tilespmem:s5+$0x0] =	vst v27  }
0xdf: {  	_ =	swait.ge [sflag:s25], $0x8000  }
0xe0: {  	[sflag:s25] =	ssyncset.done $0x0  }
0xe1: {  	s6 =	simm.s32 $0x0;
	[sflag:s25] =	ssyncadd.s32 $0xFFFF8000  }
0xe2: {  	[hbm4b:s11+s6] =	stream.linear.scatter [tilespmem:s22], [sflag:$0x4], $0x8000, $0x38;
	[tilespmem:$0x18CD0] =	vst v63  }
0xe3: {  	_ =	swait.ge [sflag:s0], $0x8000  }
0xe4: {  	[sflag:s0] =	ssyncset.done $0x0  }
0xe5: {  	[sflag:s0] =	ssyncadd.s32 $0xFFFF8000  }
0xe6: {  	[tilespmem:s28], [sflag:$0x3] =	stream.indirect.gather [hbm4b:s3+s20], $0x20, s26, s20, $0xb8;
	[tilespmem:$0x18CD0] =	vst v63  }
0xe7: {  	v26 =	vld.idx.msk [tilespmem:v18+s6+$0x0], $0xffff;
	_ =	sdelay $0x4  }
0xe8: {  	v27 =	vshra.s32 v26, $0x1F  }
0xe9: {  	v27 =	vshrl.u32 v27, $0x1B  }
0xea: {  	v26 =	vadd.s32 v27, v26  }
0xeb: {  	v26 =	vshra.s32 v26, $0x5  }
0xec: {  	v26 =	vadd.s32 v26, v19  }
0xed: {  	s5 =	simm.s32 $0xD0;
	v27 =	vadd.s32 s6, v26  }
0xee: {  	s6 =	simm.s32 $0x190;
	[tilespmem:s5+$0x0] =	vst v27  }
.LBB2_20:
0xef: {  	p0 =	sne.s32 s6, $0x6270  }
.Ltmp9:
0xf0: {  	_ = 	snop;
	(pc) =	sbr.rel @p0 .LBB2_20-.Ltmp9, $3  }
0xf1: {  	_ =	sdelay $0x1  }
0xf2: {  	v27 =	vadd.s32 s6, v26;
	s6 =	sadd.s32 $0x190, s6;
	s5 =	sadd.s32 $0x10, s5  }
0xf3: {  	[tilespmem:s5+$0x0] =	vst v27  }
0xf4: {  	_ =	swait.ge [sflag:s29], $0x8000  }
0xf5: {  	[sflag:s29] =	ssyncset.done $0x0  }
0xf6: {  	s6 =	simm.s32 $0x0;
	[sflag:s29] =	ssyncadd.s32 $0xFFFF8000  }
0xf7: {  	[hbm4b:s12+s6] =	stream.linear.scatter [tilespmem:s24], [sflag:$0x5], $0x8000, $0x38;
	[tilespmem:$0x18CD0] =	vst v63  }
0xf8: {  	_ =	swait.ge [sflag:s30], $0x8000  }
0xf9: {  	[sflag:s30] =	ssyncset.done $0x0  }
0xfa: {  	[sflag:s30] =	ssyncadd.s32 $0xFFFF8000  }
0xfb: {  	[tilespmem:s22], [sflag:$0x1] =	stream.indirect.gather [hbm4b:s3+s20], $0x20, s21, s20, $0xb8;
	[tilespmem:$0x18CD0] =	vst v63  }
0xfc: {  	v26 =	vld.idx.msk [tilespmem:v20+s6+$0x0], $0xffff;
	_ =	sdelay $0x4  }
0xfd: {  	v27 =	vshra.s32 v26, $0x1F  }
0xfe: {  	v27 =	vshrl.u32 v27, $0x1B  }
0xff: {  	v26 =	vadd.s32 v27, v26  }
0x100: {  	v26 =	vshra.s32 v26, $0x5  }
0x101: {  	v26 =	vadd.s32 v26, v21  }
0x102: {  	s5 =	simm.s32 $0x4D0;
	v27 =	vadd.s32 s6, v26  }
0x103: {  	s6 =	simm.s32 $0x190;
	[tilespmem:s5+$0x0] =	vst v27  }
.LBB2_22:
0x104: {  	p0 =	sne.s32 s6, $0x6270  }
.Ltmp10:
0x105: {  	_ = 	snop;
	(pc) =	sbr.rel @p0 .LBB2_22-.Ltmp10, $3  }
0x106: {  	_ =	sdelay $0x1  }
0x107: {  	v27 =	vadd.s32 s6, v26;
	s6 =	sadd.s32 $0x190, s6;
	s5 =	sadd.s32 $0x10, s5  }
0x108: {  	[tilespmem:s5+$0x0] =	vst v27  }
0x109: {  	_ =	swait.ge [sflag:s31], $0x8000  }
0x10a: {  	[sflag:s31] =	ssyncset.done $0x0  }
0x10b: {  	s6 =	simm.s32 $0x0;
	[sflag:s31] =	ssyncadd.s32 $0xFFFF8000  }
0x10c: {  	[hbm4b:s13+s6] =	stream.linear.scatter [tilespmem:s28], [sflag:$0x6], $0x8000, $0x38;
	[tilespmem:$0x18CD0] =	vst v63  }
0x10d: {  	_ =	swait.ge [sflag:s1], $0x8000  }
0x10e: {  	[sflag:s1] =	ssyncset.done $0x0  }
0x10f: {  	[sflag:s1] =	ssyncadd.s32 $0xFFFF8000  }
0x110: {  	[tilespmem:s24], [sflag:$0x2] =	stream.indirect.gather [hbm4b:s3+s20], $0x20, s23, s20, $0xb8;
	[tilespmem:$0x18CD0] =	vst v63  }
0x111: {  	v26 =	vld.idx.msk [tilespmem:v22+s6+$0x0], $0xffff;
	_ =	sdelay $0x4  }
0x112: {  	v27 =	vshra.s32 v26, $0x1F  }
0x113: {  	v27 =	vshrl.u32 v27, $0x1B  }
0x114: {  	v26 =	vadd.s32 v27, v26  }
0x115: {  	v26 =	vshra.s32 v26, $0x5  }
0x116: {  	v26 =	vadd.s32 v26, v23  }
0x117: {  	s5 =	simm.s32 $0x8D0;
	v27 =	vadd.s32 s6, v26  }
0x118: {  	s6 =	simm.s32 $0x190;
	[tilespmem:s5+$0x0] =	vst v27  }
.LBB2_24:
0x119: {  	p0 =	sne.s32 s6, $0x6270  }
.Ltmp11:
0x11a: {  	_ = 	snop;
	(pc) =	sbr.rel @p0 .LBB2_24-.Ltmp11, $3  }
0x11b: {  	_ =	sdelay $0x1  }
0x11c: {  	v27 =	vadd.s32 s6, v26;
	s6 =	sadd.s32 $0x190, s6;
	s5 =	sadd.s32 $0x10, s5  }
0x11d: {  	[tilespmem:s5+$0x0] =	vst v27  }
0x11e: {  	_ =	swait.ge [sflag:s25], $0x8000  }
0x11f: {  	[sflag:s25] =	ssyncset.done $0x0  }
0x120: {  	s6 =	simm.s32 $0x0;
	[sflag:s25] =	ssyncadd.s32 $0xFFFF8000  }
0x121: {  	[hbm4b:s14+s6] =	stream.linear.scatter [tilespmem:s22], [sflag:$0x4], $0x8000, $0x38;
	[tilespmem:$0x18CD0] =	vst v63  }
0x122: {  	_ =	swait.ge [sflag:s0], $0x8000  }
0x123: {  	[sflag:s0] =	ssyncset.done $0x0  }
0x124: {  	[sflag:s0] =	ssyncadd.s32 $0xFFFF8000  }
0x125: {  	[tilespmem:s28], [sflag:$0x3] =	stream.indirect.gather [hbm4b:s3+s20], $0x20, s26, s20, $0xb8;
	[tilespmem:$0x18CD0] =	vst v63  }
0x126: {  	v26 =	vld.idx.msk [tilespmem:v24+s6+$0x0], $0xffff;
	_ =	sdelay $0x4  }
0x127: {  	v27 =	vshra.s32 v26, $0x1F  }
0x128: {  	v27 =	vshrl.u32 v27, $0x1B  }
0x129: {  	v26 =	vadd.s32 v27, v26  }
0x12a: {  	v26 =	vshra.s32 v26, $0x5  }
0x12b: {  	v26 =	vadd.s32 v26, v25  }
0x12c: {  	s5 =	simm.s32 $0xD0;
	v27 =	vadd.s32 s6, v26  }
0x12d: {  	s6 =	simm.s32 $0x190;
	[tilespmem:s5+$0x0] =	vst v27  }
.LBB2_26:
0x12e: {  	p0 =	sne.s32 s6, $0x6270  }
.Ltmp12:
0x12f: {  	_ = 	snop;
	(pc) =	sbr.rel @p0 .LBB2_26-.Ltmp12, $3  }
0x130: {  	_ =	sdelay $0x1  }
0x131: {  	v27 =	vadd.s32 s6, v26;
	s6 =	sadd.s32 $0x190, s6;
	s5 =	sadd.s32 $0x10, s5  }
0x132: {  	[tilespmem:s5+$0x0] =	vst v27  }
0x133: {  	_ =	swait.ge [sflag:s29], $0x8000  }
0x134: {  	[sflag:s29] =	ssyncset.done $0x0  }
0x135: {  	[sflag:s29] =	ssyncadd.s32 $0xFFFF8000  }
0x136: {  	[hbm4b:s15+s2] =	stream.linear.scatter [tilespmem:s24], [sflag:$0x5], $0x8000, $0x38;
	[tilespmem:$0x18CD0] =	vst v63  }
0x137: {  	_ =	swait.ge [sflag:s30], $0x8000  }
0x138: {  	[sflag:s30] =	ssyncset.done $0x0  }
0x139: {  	[sflag:s30] =	ssyncadd.s32 $0xFFFF8000  }
0x13a: {  	[tilespmem:s22], [sflag:$0x1] =	stream.indirect.gather [hbm4b:s3+s20], $0x20, s21, s20, $0xb8;
	[tilespmem:$0x18CD0] =	vst v63  }
0x13b: {  	_ =	swait.ge [sflag:s31], $0x8000  }
0x13c: {  	[sflag:s31] =	ssyncset.done $0x0  }
0x13d: {  	[sflag:s31] =	ssyncadd.s32 $0xFFFF8000  }
0x13e: {  	[hbm4b:s16+s2] =	stream.linear.scatter [tilespmem:s28], [sflag:$0x6], $0x8000, $0x38;
	[tilespmem:$0x18CD0] =	vst v63  }
0x13f: {  	_ =	swait.ge [sflag:s25], $0x8000  }
0x140: {  	[sflag:s25] =	ssyncset.done $0x0  }
0x141: {  	[sflag:s25] =	ssyncadd.s32 $0xFFFF8000  }
0x142: {  	[hbm4b:s17+s2] =	stream.linear.scatter [tilespmem:s22], [sflag:$0x4], $0x8000, $0x38;
	[tilespmem:$0x18CD0] =	vst v63  }
0x143: {  	_ =	swait.ge [sflag:s1], $0x8000  }
0x144: {  	[sflag:s1] =	ssyncset.done $0x0  }
0x145: {  	s4 =	sadd.s32 $0x1, s4;
	[sflag:s1] =	ssyncadd.s32 $0xFFFF8000  }
0x146: {  	p0 =	sne.s32 s4, s18;
	_ =	swait.ge [sflag:s0], $0x8000  }
.Ltmp13:
0x147: {  	[sflag:s0] =	ssyncset.done $0x0;
	(pc) =	sbr.rel @p0 .LBB2_1-.Ltmp13, $4  }
0x148: {  	[sflag:s0] =	ssyncadd.s32 $0xFFFF8000  }
0x149: {  	_ =	swait.ge [sflag:s30], $0x8000  }
0x14a: {  	[sflag:s30] =	ssyncset.done $0x0  }
0x14b: {  	[sflag:s30] =	ssyncadd.s32 $0xFFFF8000  }
0x14c: {  	_ =	sfence.sel $0x180000  }
0x14d: {  	[bflag:$0x0] =	sbarrier.arrive $0xFFFF  }
0x14e: {  	_ =	strace $0x90000047  }
0x14f: {  	s0 =	stileid.u32;
	[bflag:$0x2] =	sbarrier.arrive $0xFFFF  }
0x150: {  	p0 =	sne.s32 s0, $0x0;
	s0 =	rddreg [dreg:$0x2]  }
0x151: {  	s0 =	sadd.s32 @!p0 $0x100000, s0  }
0x152: {  	[sflag:s0] =	ssyncadd.tile.s32 @!p0 $0x1;
	_ =	shalt  }
.Lfunc_end2:
_tile_overlayer_lowered:
.L_overlay_start_2:
0x153: {  	(tag) =	ssettag $0x2  }
0x154: {  	s0 =	rddreg [dreg:$0x0];
	s2 =	stileid.u32  }
0x155: {  	s1 =	rddreg [dreg:$0x1];
	p0 =	sne.s32 s2, $0x0  }
0x156: {  	s3 =	rddreg [dreg:$0x2];
	[bflag:$0x3] =	sbarrier.arrive $0xFFFF;
	s2 =	simm.s32 @!p0 $0x1C07  }
0x157: {  	[timem:s3], [sflag:s2] =	dma.local @!p0 [hbm:s0], s1  }
0x158: {  	s0 =	simm.s32 @!p0 $0x7  }
0x159: {  	_ =	swait.ge @!p0 [sflag:s0], s1  }
0x15a: {  	s1 =	ssub.s32 @!p0 $0x0, s1;
	[sflag:s0] =	ssyncset.done @!p0 $0x0  }
0x15b: {  	[sflag:s0] =	ssyncadd.s32 @!p0 s1  }
0x15c: {  	[bflag:$0x3] =	sbarrier.arrive $0xFFFF  }
0x15d: {  	_ =	shalt  }

</sc_bundles>
